<compile_context>
chip_gen: v7x
topology: tpu7x:2x2x1
jax: 0.10.2.dev20260603
libtpu: 0.0.44.dev20260713+nightly
codegen_flags: <defaults>
</compile_context>

<pallas_src>
import functools

import jax
import jax.numpy as jnp
from jax import lax
from jax.experimental import pallas as pl
from jax.experimental.pallas import tpu as pltpu
from jax.experimental.pallas import tpu_sc as plsc

BATCH = 16384
N_FIELD = 26
EMBED = 16
D_IN = N_FIELD * EMBED
H1 = 256
H2 = 64

NC = 2
NS = 16
NW = NC * NS

N_ROWS = BATCH * N_FIELD
RPW = N_ROWS // NW
N_CHUNKS = 8
CHUNK = RPW // N_CHUNKS


N_FEAT = 1000000
GROUP = 126976
PAD_COLS = 8 * GROUP
RL_BLK = 4096
RL_GRID = GROUP // RL_BLK


def _relayout_body(*refs):
    in_refs, out_ref = refs[:8], refs[8]
    out_ref[...] = jnp.concatenate(
        [jnp.transpose(r[...]) for r in in_refs], axis=1)


def _relayout(table_t):

    def mk_map(s):
        return lambda i: (0, s * RL_GRID + i)

    return pl.pallas_call(
        _relayout_body,
        grid=(RL_GRID,),
        in_specs=[pl.BlockSpec((EMBED, RL_BLK), mk_map(s)) for s in range(8)],
        out_specs=pl.BlockSpec((RL_BLK, 128), lambda i: (i, 0)),
        out_shape=jax.ShapeDtypeStruct((GROUP, 128), jnp.float32),
    )(*([table_t] * 8))


def _gather(idx_flat, table):
    mesh = plsc.VectorSubcoreMesh(core_axis_name="c", subcore_axis_name="s")

    @functools.partial(
        pl.kernel,
        mesh=mesh,
        out_type=jax.ShapeDtypeStruct((N_ROWS, EMBED), jnp.float32),
        compiler_params=pltpu.CompilerParams(use_tc_tiling_on_sc=False),
        scratch_types=[
            pltpu.VMEM((RPW,), jnp.int32),
            pltpu.VMEM((2, CHUNK, EMBED), jnp.float32),
            pltpu.SemaphoreType.DMA,
            pltpu.SemaphoreType.DMA,
            pltpu.SemaphoreType.DMA,
            pltpu.SemaphoreType.DMA,
        ],
    )
    def gather_k(idx_hbm, table_hbm, out_hbm, idx_v, rows_v, sg0, sg1, so0, so1):
        wid = lax.axis_index("s") * NC + lax.axis_index("c")
        sg = [sg0, sg1]
        so = [so0, so1]
        pltpu.sync_copy(idx_hbm.at[pl.ds(wid * RPW, RPW)], idx_v)

        def start_gather(i, buf):
            return pltpu.async_copy(
                table_hbm.at[idx_v.at[pl.ds(i * CHUNK, CHUNK)]],
                rows_v.at[buf], sg[buf])

        def start_out(i, buf):
            return pltpu.async_copy(
                rows_v.at[buf],
                out_hbm.at[pl.ds(wid * RPW + i * CHUNK, CHUNK)],
                so[buf])

        g = start_gather(0, 0)
        outc = [None, None]
        for i in range(N_CHUNKS):
            buf = i & 1
            nxt = None
            if i + 1 < N_CHUNKS:
                if outc[1 - buf] is not None:
                    outc[1 - buf].wait()
                nxt = start_gather(i + 1, 1 - buf)
            g.wait()
            outc[buf] = start_out(i, buf)
            g = nxt
        for oc in outc:
            if oc is not None:
                oc.wait()

    return gather_k(idx_flat, table)


def _mlp_body(emb_ref, w1_ref, b1_ref, w2_ref, b2_ref, out_ref):
    h = jnp.dot(emb_ref[...], w1_ref[...], preferred_element_type=jnp.float32)
    h = jnp.maximum(h + b1_ref[...], 0.0)
    out_ref[...] = (
        jnp.dot(h, w2_ref[...], preferred_element_type=jnp.float32)
        + b2_ref[...])


def _mlp(emb, W1, b1, W2, b2, tb=1024):
    return pl.pallas_call(
        _mlp_body,
        grid=(BATCH // tb,),
        in_specs=[
            pl.BlockSpec((tb, D_IN), lambda i: (i, 0)),
            pl.BlockSpec((D_IN, H1), lambda i: (0, 0)),
            pl.BlockSpec((1, H1), lambda i: (0, 0)),
            pl.BlockSpec((H1, H2), lambda i: (0, 0)),
            pl.BlockSpec((1, H2), lambda i: (0, 0)),
        ],
        out_specs=pl.BlockSpec((tb, H2), lambda i: (i, 0)),
        out_shape=jax.ShapeDtypeStruct((BATCH, H2), jnp.float32),
    )(emb, W1, b1.reshape(1, H1), W2, b2.reshape(1, H2))


def kernel(u_feat, embed_table, W1, b1, W2, b2):
    r = u_feat.astype(jnp.int32).reshape(N_ROWS)
    s = r // GROUP
    idx_flat = 8 * (r - s * GROUP) + s
    table_t = jnp.pad(
        jnp.transpose(embed_table), ((0, 0), (0, PAD_COLS - N_FEAT)))
    table_compact = _relayout(table_t).reshape(PAD_COLS, EMBED)
    gathered = _gather(idx_flat, table_compact)
    emb = gathered.reshape(BATCH, D_IN)
    return _mlp(emb, W1, b1, W2, b2)

# --- scband reference (transcript-rebuilt; emitter-appended) ---
"""Pipeline reference for scband-user-representation-25056839204885 (READ-ONLY COPY).

The authoritative reference and input builder live on the scoring server;
editing this copy changes nothing except your own understanding.
"""

import jax, jax.numpy as jnp
import numpy as np

N_FEAT = 1000000
N_FIELD = 26
EMBED_SIZE = 16
BATCH = 16384

def setup_inputs(seed: int = 0) -> dict:
    key = jax.random.key(seed)
    k1, k2, k3, k4, k5, k6 = jax.random.split(key, 6)
    u_feat = jax.random.randint(k1, (BATCH, N_FIELD), 0, N_FEAT, dtype=jnp.int64 if jax.config.jax_enable_x64 else jnp.int32)
    embed_table = jax.random.normal(k2, (N_FEAT, EMBED_SIZE), dtype=jnp.float32) * 0.01
    d_in = N_FIELD * EMBED_SIZE
    # torch.nn.Linear default init: U(-1/sqrt(fan_in), 1/sqrt(fan_in))
    lim1 = 1.0 / np.sqrt(d_in)
    W1 = jax.random.uniform(k3, (d_in, 256), minval=-lim1, maxval=lim1, dtype=jnp.float32)
    b1 = jax.random.uniform(k4, (256,), minval=-lim1, maxval=lim1, dtype=jnp.float32)
    lim2 = 1.0 / np.sqrt(256)
    W2 = jax.random.uniform(k5, (256, 64), minval=-lim2, maxval=lim2, dtype=jnp.float32)
    b2 = jax.random.uniform(k6, (64,), minval=-lim2, maxval=lim2, dtype=jnp.float32)
    return {"u_feat": u_feat, "embed_table": embed_table, "W1": W1, "b1": b1, "W2": W2, "b2": b2}

def reference(u_feat, embed_table, W1, b1, W2, b2):
    # Embedding lookup: [B, n_field] -> [B, n_field, embed_size]
    emb = jnp.take(embed_table, u_feat, axis=0)
    emb = emb.reshape(u_feat.shape[0], -1)
    h = jnp.dot(emb, W1) + b1
    h = jax.nn.relu(h)
    out = jnp.dot(h, W2) + b2
    return out

if __name__ == "__main__":
    import jax
    _d = setup_inputs()
    print(jax.jit(kernel)(*tuple(_d.values())))

</pallas_src>

<mosaic_0001>
#map = affine_map<(d0, d1) -> (0)>
#map1 = affine_map<(d0, d1) -> (0, 0)>
module attributes {stable_mosaic.version = 14 : i64} {
  func.func @gather_k(%arg0: i32, %arg1: i32, %arg2: memref<425984xi32, #tpu.memory_space<hbm>>, %arg3: memref<1015808x16xf32, #tpu.memory_space<hbm>>, %arg4: memref<425984x16xf32, #tpu.memory_space<hbm>>, %arg5: memref<13312xi32, #tpu.memory_space<vmem>>, %arg6: memref<2x1664x16xf32, #tpu.memory_space<vmem>>, %arg7: memref<!tpu.dma_semaphore, #tpu.memory_space<semaphore_mem>>, %arg8: memref<!tpu.dma_semaphore, #tpu.memory_space<semaphore_mem>>, %arg9: memref<!tpu.dma_semaphore, #tpu.memory_space<semaphore_mem>>, %arg10: memref<!tpu.dma_semaphore, #tpu.memory_space<semaphore_mem>>) attributes {dimension_semantics = [#tpu.dimension_semantics<core_parallel>, #tpu.dimension_semantics<subcore_parallel>], iteration_bounds = array<i64: 2, 16>, scalar_prefetch = 0 : i64, scratch_operands = 6 : i64, tpu.core_type = #tpu.core_type<sc_vector_subcore>, window_params = [{transform_indices = #map}, {transform_indices = #map1}, {transform_indices = #map1}]} {
    %mul3A = arith.constant 2 : i32
    %mul3A_0 = arith.muli %arg1, %mul3A : i32
    %add3A = arith.addi %mul3A_0, %arg0 : i32
    %mul3A_1 = arith.constant 13312 : i32
    %mul3A_2 = arith.muli %add3A, %mul3A_1 : i32
    "tpu.region"() ({
      %run_scoped3A = tpu.sem_alloc : memref<!tpu.dma_semaphore, #tpu.memory_space<semaphore_mem>>
      %dma_start3A_401 = tpu.memref_slice %arg2[%mul3A_2] : memref<425984xi32, #tpu.memory_space<hbm>> -> memref<13312xi32, #tpu.memory_space<hbm>>
      %dma_start3A_402 = tpu.memref_slice %arg2[%mul3A_2] : memref<425984xi32, #tpu.memory_space<hbm>> -> memref<13312xi32, #tpu.memory_space<hbm>>
      tpu.enqueue_dma source(%dma_start3A_402 : memref<13312xi32, #tpu.memory_space<hbm>>) target(%arg5 : memref<13312xi32, #tpu.memory_space<vmem>>) target_semaphore(%run_scoped3A : memref<!tpu.dma_semaphore, #tpu.memory_space<semaphore_mem>>)
      %dma_wait3A_403 = tpu.memref_slice %arg2[%mul3A_2] : memref<425984xi32, #tpu.memory_space<hbm>> -> memref<13312xi32, #tpu.memory_space<hbm>>
      %dma_wait3A_404 = tpu.memref_slice %arg2[%mul3A_2] : memref<425984xi32, #tpu.memory_space<hbm>> -> memref<13312xi32, #tpu.memory_space<hbm>>
      tpu.wait_dma2 semaphore(%run_scoped3A : memref<!tpu.dma_semaphore, #tpu.memory_space<semaphore_mem>>) src(%dma_wait3A_404 : memref<13312xi32, #tpu.memory_space<hbm>>) dst(%arg5 : memref<13312xi32, #tpu.memory_space<vmem>>)
      tpu.yield
    }) : () -> ()
    %dma_start3A = arith.constant 0 : i32
    %dma_start3A_3 = arith.constant 0 : i32
    %dma_start3A_4 = arith.constant 0 : i32
    %dma_start3A_5 = tpu.memref_slice %arg6[%dma_start3A, %dma_start3A_3, %dma_start3A_4] : memref<2x1664x16xf32, #tpu.memory_space<vmem>> -> memref<1x1664x16xf32, #tpu.memory_space<vmem>>
    %dma_start3A_6 = tpu.memref_squeeze %dma_start3A_5 : memref<1x1664x16xf32, #tpu.memory_space<vmem>> -> memref<1664x16xf32, #tpu.memory_space<vmem>>
    %dma_start3A_7 = arith.constant 0 : i32
    %dma_start3A_8 = tpu.memref_slice %arg5[%dma_start3A_7] : memref<13312xi32, #tpu.memory_space<vmem>> -> memref<1664xi32, #tpu.memory_space<vmem>>
    %dma_start3A_9 = arith.constant 0 : i32
    %dma_start3A_10 = arith.constant 0 : i32
    %dma_start3A_11 = tpu.memref_slice %arg3[%dma_start3A_9, %dma_start3A_10] : memref<1015808x16xf32, #tpu.memory_space<hbm>> -> memref<1015808x16xf32, #tpu.memory_space<hbm>>
    tpu.enqueue_indirect_dma source(%dma_start3A_11 : memref<1015808x16xf32, #tpu.memory_space<hbm>>) target(%dma_start3A_6 : memref<1664x16xf32, #tpu.memory_space<vmem>>) offsets(%dma_start3A_8 : memref<1664xi32, #tpu.memory_space<vmem>>) semaphore(%arg7 : memref<!tpu.dma_semaphore, #tpu.memory_space<semaphore_mem>>)
    %dma_start3A_12 = arith.constant 1 : i32
    %dma_start3A_13 = arith.constant 0 : i32
    %dma_start3A_14 = arith.constant 0 : i32
    %dma_start3A_15 = tpu.memref_slice %arg6[%dma_start3A_12, %dma_start3A_13, %dma_start3A_14] : memref<2x1664x16xf32, #tpu.memory_space<vmem>> -> memref<1x1664x16xf32, #tpu.memory_space<vmem>>
    %dma_start3A_16 = tpu.memref_squeeze %dma_start3A_15 : memref<1x1664x16xf32, #tpu.memory_space<vmem>> -> memref<1664x16xf32, #tpu.memory_space<vmem>>
    %dma_start3A_17 = arith.constant 1664 : i32
    %dma_start3A_18 = tpu.memref_slice %arg5[%dma_start3A_17] : memref<13312xi32, #tpu.memory_space<vmem>> -> memref<1664xi32, #tpu.memory_space<vmem>>
    %dma_start3A_19 = arith.constant 0 : i32
    %dma_start3A_20 = arith.constant 0 : i32
    %dma_start3A_21 = tpu.memref_slice %arg3[%dma_start3A_19, %dma_start3A_20] : memref<1015808x16xf32, #tpu.memory_space<hbm>> -> memref<1015808x16xf32, #tpu.memory_space<hbm>>
    tpu.enqueue_indirect_dma source(%dma_start3A_21 : memref<1015808x16xf32, #tpu.memory_space<hbm>>) target(%dma_start3A_16 : memref<1664x16xf32, #tpu.memory_space<vmem>>) offsets(%dma_start3A_18 : memref<1664xi32, #tpu.memory_space<vmem>>) semaphore(%arg8 : memref<!tpu.dma_semaphore, #tpu.memory_space<semaphore_mem>>)
    %dma_wait3A = arith.constant 0 : i32
    %dma_wait3A_22 = arith.constant 0 : i32
    %dma_wait3A_23 = arith.constant 0 : i32
    %dma_wait3A_24 = tpu.memref_slice %arg6[%dma_wait3A, %dma_wait3A_22, %dma_wait3A_23] : memref<2x1664x16xf32, #tpu.memory_space<vmem>> -> memref<1x1664x16xf32, #tpu.memory_space<vmem>>
    %dma_wait3A_25 = tpu.memref_squeeze %dma_wait3A_24 : memref<1x1664x16xf32, #tpu.memory_space<vmem>> -> memref<1664x16xf32, #tpu.memory_space<vmem>>
    %dma_wait3A_26 = arith.constant 0 : i32
    %dma_wait3A_27 = tpu.memref_slice %arg5[%dma_wait3A_26] : memref<13312xi32, #tpu.memory_space<vmem>> -> memref<1664xi32, #tpu.memory_space<vmem>>
    %dma_wait3A_28 = arith.constant 0 : i32
    %dma_wait3A_29 = arith.constant 0 : i32
    %dma_wait3A_30 = tpu.memref_slice %arg3[%dma_wait3A_28, %dma_wait3A_29] : memref<1015808x16xf32, #tpu.memory_space<hbm>> -> memref<1015808x16xf32, #tpu.memory_space<hbm>>
    tpu.wait_indirect_dma semaphore(%arg7 : memref<!tpu.dma_semaphore, #tpu.memory_space<semaphore_mem>>) src(%dma_wait3A_30 : memref<1015808x16xf32, #tpu.memory_space<hbm>>) dst(%dma_wait3A_25 : memref<1664x16xf32, #tpu.memory_space<vmem>>)
    %mul3A_31 = arith.constant 13312 : i32
    %mul3A_32 = arith.muli %add3A, %mul3A_31 : i32
    %add3A_33 = arith.constant 0 : i32
    %add3A_34 = arith.addi %mul3A_32, %add3A_33 : i32
    %dma_start3A_35 = arith.constant 0 : i32
    %dma_start3A_36 = arith.constant 0 : i32
    %dma_start3A_37 = arith.constant 0 : i32
    %dma_start3A_38 = tpu.memref_slice %arg6[%dma_start3A_35, %dma_start3A_36, %dma_start3A_37] : memref<2x1664x16xf32, #tpu.memory_space<vmem>> -> memref<1x1664x16xf32, #tpu.memory_space<vmem>>
    %dma_start3A_39 = tpu.memref_squeeze %dma_start3A_38 : memref<1x1664x16xf32, #tpu.memory_space<vmem>> -> memref<1664x16xf32, #tpu.memory_space<vmem>>
    %dma_start3A_40 = arith.constant 0 : i32
    %dma_start3A_41 = tpu.memref_slice %arg4[%add3A_34, %dma_start3A_40] : memref<425984x16xf32, #tpu.memory_space<hbm>> -> memref<1664x16xf32, #tpu.memory_space<hbm>>
    %dma_start3A_42 = arith.constant 0 : i32
    %dma_start3A_43 = tpu.memref_slice %arg4[%add3A_34, %dma_start3A_42] : memref<425984x16xf32, #tpu.memory_space<hbm>> -> memref<1664x16xf32, #tpu.memory_space<hbm>>
    %dma_start3A_44 = arith.constant 0 : i32
    %dma_start3A_45 = arith.constant 0 : i32
    %dma_start3A_46 = tpu.memref_slice %arg6[%dma_start3A_35, %dma_start3A_44, %dma_start3A_45] : memref<2x1664x16xf32, #tpu.memory_space<vmem>> -> memref<1x1664x16xf32, #tpu.memory_space<vmem>>
    %dma_start3A_47 = tpu.memref_squeeze %dma_start3A_46 : memref<1x1664x16xf32, #tpu.memory_space<vmem>> -> memref<1664x16xf32, #tpu.memory_space<vmem>>
    tpu.enqueue_dma source(%dma_start3A_47 : memref<1664x16xf32, #tpu.memory_space<vmem>>) target(%dma_start3A_43 : memref<1664x16xf32, #tpu.memory_space<hbm>>) target_semaphore(%arg9 : memref<!tpu.dma_semaphore, #tpu.memory_space<semaphore_mem>>)
    %dma_wait3A_48 = arith.constant 0 : i32
    %dma_wait3A_49 = arith.constant 0 : i32
    %dma_wait3A_50 = arith.constant 0 : i32
    %dma_wait3A_51 = tpu.memref_slice %arg6[%dma_wait3A_48, %dma_wait3A_49, %dma_wait3A_50] : memref<2x1664x16xf32, #tpu.memory_space<vmem>> -> memref<1x1664x16xf32, #tpu.memory_space<vmem>>
    %dma_wait3A_52 = tpu.memref_squeeze %dma_wait3A_51 : memref<1x1664x16xf32, #tpu.memory_space<vmem>> -> memref<1664x16xf32, #tpu.memory_space<vmem>>
    %dma_wait3A_53 = arith.constant 0 : i32
    %dma_wait3A_54 = tpu.memref_slice %arg4[%add3A_34, %dma_wait3A_53] : memref<425984x16xf32, #tpu.memory_space<hbm>> -> memref<1664x16xf32, #tpu.memory_space<hbm>>
    %dma_wait3A_55 = arith.constant 0 : i32
    %dma_wait3A_56 = tpu.memref_slice %arg4[%add3A_34, %dma_wait3A_55] : memref<425984x16xf32, #tpu.memory_space<hbm>> -> memref<1664x16xf32, #tpu.memory_space<hbm>>
    %dma_wait3A_57 = arith.constant 0 : i32
    %dma_wait3A_58 = arith.constant 0 : i32
    %dma_wait3A_59 = tpu.memref_slice %arg6[%dma_wait3A_48, %dma_wait3A_57, %dma_wait3A_58] : memref<2x1664x16xf32, #tpu.memory_space<vmem>> -> memref<1x1664x16xf32, #tpu.memory_space<vmem>>
    %dma_wait3A_60 = tpu.memref_squeeze %dma_wait3A_59 : memref<1x1664x16xf32, #tpu.memory_space<vmem>> -> memref<1664x16xf32, #tpu.memory_space<vmem>>
    tpu.wait_dma2 semaphore(%arg9 : memref<!tpu.dma_semaphore, #tpu.memory_space<semaphore_mem>>) src(%dma_wait3A_60 : memref<1664x16xf32, #tpu.memory_space<vmem>>) dst(%dma_wait3A_56 : memref<1664x16xf32, #tpu.memory_space<hbm>>)
    %dma_start3A_61 = arith.constant 0 : i32
    %dma_start3A_62 = arith.constant 0 : i32
    %dma_start3A_63 = arith.constant 0 : i32
    %dma_start3A_64 = tpu.memref_slice %arg6[%dma_start3A_61, %dma_start3A_62, %dma_start3A_63] : memref<2x1664x16xf32, #tpu.memory_space<vmem>> -> memref<1x1664x16xf32, #tpu.memory_space<vmem>>
    %dma_start3A_65 = tpu.memref_squeeze %dma_start3A_64 : memref<1x1664x16xf32, #tpu.memory_space<vmem>> -> memref<1664x16xf32, #tpu.memory_space<vmem>>
    %dma_start3A_66 = arith.constant 3328 : i32
    %dma_start3A_67 = tpu.memref_slice %arg5[%dma_start3A_66] : memref<13312xi32, #tpu.memory_space<vmem>> -> memref<1664xi32, #tpu.memory_space<vmem>>
    %dma_start3A_68 = arith.constant 0 : i32
    %dma_start3A_69 = arith.constant 0 : i32
    %dma_start3A_70 = tpu.memref_slice %arg3[%dma_start3A_68, %dma_start3A_69] : memref<1015808x16xf32, #tpu.memory_space<hbm>> -> memref<1015808x16xf32, #tpu.memory_space<hbm>>
    tpu.enqueue_indirect_dma source(%dma_start3A_70 : memref<1015808x16xf32, #tpu.memory_space<hbm>>) target(%dma_start3A_65 : memref<1664x16xf32, #tpu.memory_space<vmem>>) offsets(%dma_start3A_67 : memref<1664xi32, #tpu.memory_space<vmem>>) semaphore(%arg7 : memref<!tpu.dma_semaphore, #tpu.memory_space<semaphore_mem>>)
    %dma_wait3A_71 = arith.constant 1 : i32
    %dma_wait3A_72 = arith.constant 0 : i32
    %dma_wait3A_73 = arith.constant 0 : i32
    %dma_wait3A_74 = tpu.memref_slice %arg6[%dma_wait3A_71, %dma_wait3A_72, %dma_wait3A_73] : memref<2x1664x16xf32, #tpu.memory_space<vmem>> -> memref<1x1664x16xf32, #tpu.memory_space<vmem>>
    %dma_wait3A_75 = tpu.memref_squeeze %dma_wait3A_74 : memref<1x1664x16xf32, #tpu.memory_space<vmem>> -> memref<1664x16xf32, #tpu.memory_space<vmem>>
    %dma_wait3A_76 = arith.constant 1664 : i32
    %dma_wait3A_77 = tpu.memref_slice %arg5[%dma_wait3A_76] : memref<13312xi32, #tpu.memory_space<vmem>> -> memref<1664xi32, #tpu.memory_space<vmem>>
    %dma_wait3A_78 = arith.constant 0 : i32
    %dma_wait3A_79 = arith.constant 0 : i32
    %dma_wait3A_80 = tpu.memref_slice %arg3[%dma_wait3A_78, %dma_wait3A_79] : memref<1015808x16xf32, #tpu.memory_space<hbm>> -> memref<1015808x16xf32, #tpu.memory_space<hbm>>
    tpu.wait_indirect_dma semaphore(%arg8 : memref<!tpu.dma_semaphore, #tpu.memory_space<semaphore_mem>>) src(%dma_wait3A_80 : memref<1015808x16xf32, #tpu.memory_space<hbm>>) dst(%dma_wait3A_75 : memref<1664x16xf32, #tpu.memory_space<vmem>>)
    %mul3A_81 = arith.constant 13312 : i32
    %mul3A_82 = arith.muli %add3A, %mul3A_81 : i32
    %add3A_83 = arith.constant 1664 : i32
    %add3A_84 = arith.addi %mul3A_82, %add3A_83 : i32
    %dma_start3A_85 = arith.constant 1 : i32
    %dma_start3A_86 = arith.constant 0 : i32
    %dma_start3A_87 = arith.constant 0 : i32
    %dma_start3A_88 = tpu.memref_slice %arg6[%dma_start3A_85, %dma_start3A_86, %dma_start3A_87] : memref<2x1664x16xf32, #tpu.memory_space<vmem>> -> memref<1x1664x16xf32, #tpu.memory_space<vmem>>
    %dma_start3A_89 = tpu.memref_squeeze %dma_start3A_88 : memref<1x1664x16xf32, #tpu.memory_space<vmem>> -> memref<1664x16xf32, #tpu.memory_space<vmem>>
    %dma_start3A_90 = arith.constant 0 : i32
    %dma_start3A_91 = tpu.memref_slice %arg4[%add3A_84, %dma_start3A_90] : memref<425984x16xf32, #tpu.memory_space<hbm>> -> memref<1664x16xf32, #tpu.memory_space<hbm>>
    %dma_start3A_92 = arith.constant 0 : i32
    %dma_start3A_93 = tpu.memref_slice %arg4[%add3A_84, %dma_start3A_92] : memref<425984x16xf32, #tpu.memory_space<hbm>> -> memref<1664x16xf32, #tpu.memory_space<hbm>>
    %dma_start3A_94 = arith.constant 0 : i32
    %dma_start3A_95 = arith.constant 0 : i32
    %dma_start3A_96 = tpu.memref_slice %arg6[%dma_start3A_85, %dma_start3A_94, %dma_start3A_95] : memref<2x1664x16xf32, #tpu.memory_space<vmem>> -> memref<1x1664x16xf32, #tpu.memory_space<vmem>>
    %dma_start3A_97 = tpu.memref_squeeze %dma_start3A_96 : memref<1x1664x16xf32, #tpu.memory_space<vmem>> -> memref<1664x16xf32, #tpu.memory_space<vmem>>
    tpu.enqueue_dma source(%dma_start3A_97 : memref<1664x16xf32, #tpu.memory_space<vmem>>) target(%dma_start3A_93 : memref<1664x16xf32, #tpu.memory_space<hbm>>) target_semaphore(%arg10 : memref<!tpu.dma_semaphore, #tpu.memory_space<semaphore_mem>>)
    %dma_wait3A_98 = arith.constant 1 : i32
    %dma_wait3A_99 = arith.constant 0 : i32
    %dma_wait3A_100 = arith.constant 0 : i32
    %dma_wait3A_101 = tpu.memref_slice %arg6[%dma_wait3A_98, %dma_wait3A_99, %dma_wait3A_100] : memref<2x1664x16xf32, #tpu.memory_space<vmem>> -> memref<1x1664x16xf32, #tpu.memory_space<vmem>>
    %dma_wait3A_102 = tpu.memref_squeeze %dma_wait3A_101 : memref<1x1664x16xf32, #tpu.memory_space<vmem>> -> memref<1664x16xf32, #tpu.memory_space<vmem>>
    %dma_wait3A_103 = arith.constant 0 : i32
    %dma_wait3A_104 = tpu.memref_slice %arg4[%add3A_84, %dma_wait3A_103] : memref<425984x16xf32, #tpu.memory_space<hbm>> -> memref<1664x16xf32, #tpu.memory_space<hbm>>
    %dma_wait3A_105 = arith.constant 0 : i32
    %dma_wait3A_106 = tpu.memref_slice %arg4[%add3A_84, %dma_wait3A_105] : memref<425984x16xf32, #tpu.memory_space<hbm>> -> memref<1664x16xf32, #tpu.memory_space<hbm>>
    %dma_wait3A_107 = arith.constant 0 : i32
    %dma_wait3A_108 = arith.constant 0 : i32
    %dma_wait3A_109 = tpu.memref_slice %arg6[%dma_wait3A_98, %dma_wait3A_107, %dma_wait3A_108] : memref<2x1664x16xf32, #tpu.memory_space<vmem>> -> memref<1x1664x16xf32, #tpu.memory_space<vmem>>
    %dma_wait3A_110 = tpu.memref_squeeze %dma_wait3A_109 : memref<1x1664x16xf32, #tpu.memory_space<vmem>> -> memref<1664x16xf32, #tpu.memory_space<vmem>>
    tpu.wait_dma2 semaphore(%arg10 : memref<!tpu.dma_semaphore, #tpu.memory_space<semaphore_mem>>) src(%dma_wait3A_110 : memref<1664x16xf32, #tpu.memory_space<vmem>>) dst(%dma_wait3A_106 : memref<1664x16xf32, #tpu.memory_space<hbm>>)
    %dma_start3A_111 = arith.constant 1 : i32
    %dma_start3A_112 = arith.constant 0 : i32
    %dma_start3A_113 = arith.constant 0 : i32
    %dma_start3A_114 = tpu.memref_slice %arg6[%dma_start3A_111, %dma_start3A_112, %dma_start3A_113] : memref<2x1664x16xf32, #tpu.memory_space<vmem>> -> memref<1x1664x16xf32, #tpu.memory_space<vmem>>
    %dma_start3A_115 = tpu.memref_squeeze %dma_start3A_114 : memref<1x1664x16xf32, #tpu.memory_space<vmem>> -> memref<1664x16xf32, #tpu.memory_space<vmem>>
    %dma_start3A_116 = arith.constant 4992 : i32
    %dma_start3A_117 = tpu.memref_slice %arg5[%dma_start3A_116] : memref<13312xi32, #tpu.memory_space<vmem>> -> memref<1664xi32, #tpu.memory_space<vmem>>
    %dma_start3A_118 = arith.constant 0 : i32
    %dma_start3A_119 = arith.constant 0 : i32
    %dma_start3A_120 = tpu.memref_slice %arg3[%dma_start3A_118, %dma_start3A_119] : memref<1015808x16xf32, #tpu.memory_space<hbm>> -> memref<1015808x16xf32, #tpu.memory_space<hbm>>
    tpu.enqueue_indirect_dma source(%dma_start3A_120 : memref<1015808x16xf32, #tpu.memory_space<hbm>>) target(%dma_start3A_115 : memref<1664x16xf32, #tpu.memory_space<vmem>>) offsets(%dma_start3A_117 : memref<1664xi32, #tpu.memory_space<vmem>>) semaphore(%arg8 : memref<!tpu.dma_semaphore, #tpu.memory_space<semaphore_mem>>)
    %dma_wait3A_121 = arith.constant 0 : i32
    %dma_wait3A_122 = arith.constant 0 : i32
    %dma_wait3A_123 = arith.constant 0 : i32
    %dma_wait3A_124 = tpu.memref_slice %arg6[%dma_wait3A_121, %dma_wait3A_122, %dma_wait3A_123] : memref<2x1664x16xf32, #tpu.memory_space<vmem>> -> memref<1x1664x16xf32, #tpu.memory_space<vmem>>
    %dma_wait3A_125 = tpu.memref_squeeze %dma_wait3A_124 : memref<1x1664x16xf32, #tpu.memory_space<vmem>> -> memref<1664x16xf32, #tpu.memory_space<vmem>>
    %dma_wait3A_126 = arith.constant 3328 : i32
    %dma_wait3A_127 = tpu.memref_slice %arg5[%dma_wait3A_126] : memref<13312xi32, #tpu.memory_space<vmem>> -> memref<1664xi32, #tpu.memory_space<vmem>>
    %dma_wait3A_128 = arith.constant 0 : i32
    %dma_wait3A_129 = arith.constant 0 : i32
    %dma_wait3A_130 = tpu.memref_slice %arg3[%dma_wait3A_128, %dma_wait3A_129] : memref<1015808x16xf32, #tpu.memory_space<hbm>> -> memref<1015808x16xf32, #tpu.memory_space<hbm>>
    tpu.wait_indirect_dma semaphore(%arg7 : memref<!tpu.dma_semaphore, #tpu.memory_space<semaphore_mem>>) src(%dma_wait3A_130 : memref<1015808x16xf32, #tpu.memory_space<hbm>>) dst(%dma_wait3A_125 : memref<1664x16xf32, #tpu.memory_space<vmem>>)
    %mul3A_131 = arith.constant 13312 : i32
    %mul3A_132 = arith.muli %add3A, %mul3A_131 : i32
    %add3A_133 = arith.constant 3328 : i32
    %add3A_134 = arith.addi %mul3A_132, %add3A_133 : i32
    %dma_start3A_135 = arith.constant 0 : i32
    %dma_start3A_136 = arith.constant 0 : i32
    %dma_start3A_137 = arith.constant 0 : i32
    %dma_start3A_138 = tpu.memref_slice %arg6[%dma_start3A_135, %dma_start3A_136, %dma_start3A_137] : memref<2x1664x16xf32, #tpu.memory_space<vmem>> -> memref<1x1664x16xf32, #tpu.memory_space<vmem>>
    %dma_start3A_139 = tpu.memref_squeeze %dma_start3A_138 : memref<1x1664x16xf32, #tpu.memory_space<vmem>> -> memref<1664x16xf32, #tpu.memory_space<vmem>>
    %dma_start3A_140 = arith.constant 0 : i32
    %dma_start3A_141 = tpu.memref_slice %arg4[%add3A_134, %dma_start3A_140] : memref<425984x16xf32, #tpu.memory_space<hbm>> -> memref<1664x16xf32, #tpu.memory_space<hbm>>
    %dma_start3A_142 = arith.constant 0 : i32
    %dma_start3A_143 = tpu.memref_slice %arg4[%add3A_134, %dma_start3A_142] : memref<425984x16xf32, #tpu.memory_space<hbm>> -> memref<1664x16xf32, #tpu.memory_space<hbm>>
    %dma_start3A_144 = arith.constant 0 : i32
    %dma_start3A_145 = arith.constant 0 : i32
    %dma_start3A_146 = tpu.memref_slice %arg6[%dma_start3A_135, %dma_start3A_144, %dma_start3A_145] : memref<2x1664x16xf32, #tpu.memory_space<vmem>> -> memref<1x1664x16xf32, #tpu.memory_space<vmem>>
    %dma_start3A_147 = tpu.memref_squeeze %dma_start3A_146 : memref<1x1664x16xf32, #tpu.memory_space<vmem>> -> memref<1664x16xf32, #tpu.memory_space<vmem>>
    tpu.enqueue_dma source(%dma_start3A_147 : memref<1664x16xf32, #tpu.memory_space<vmem>>) target(%dma_start3A_143 : memref<1664x16xf32, #tpu.memory_space<hbm>>) target_semaphore(%arg9 : memref<!tpu.dma_semaphore, #tpu.memory_space<semaphore_mem>>)
    %dma_wait3A_148 = arith.constant 0 : i32
    %dma_wait3A_149 = arith.constant 0 : i32
    %dma_wait3A_150 = arith.constant 0 : i32
    %dma_wait3A_151 = tpu.memref_slice %arg6[%dma_wait3A_148, %dma_wait3A_149, %dma_wait3A_150] : memref<2x1664x16xf32, #tpu.memory_space<vmem>> -> memref<1x1664x16xf32, #tpu.memory_space<vmem>>
    %dma_wait3A_152 = tpu.memref_squeeze %dma_wait3A_151 : memref<1x1664x16xf32, #tpu.memory_space<vmem>> -> memref<1664x16xf32, #tpu.memory_space<vmem>>
    %dma_wait3A_153 = arith.constant 0 : i32
    %dma_wait3A_154 = tpu.memref_slice %arg4[%add3A_134, %dma_wait3A_153] : memref<425984x16xf32, #tpu.memory_space<hbm>> -> memref<1664x16xf32, #tpu.memory_space<hbm>>
    %dma_wait3A_155 = arith.constant 0 : i32
    %dma_wait3A_156 = tpu.memref_slice %arg4[%add3A_134, %dma_wait3A_155] : memref<425984x16xf32, #tpu.memory_space<hbm>> -> memref<1664x16xf32, #tpu.memory_space<hbm>>
    %dma_wait3A_157 = arith.constant 0 : i32
    %dma_wait3A_158 = arith.constant 0 : i32
    %dma_wait3A_159 = tpu.memref_slice %arg6[%dma_wait3A_148, %dma_wait3A_157, %dma_wait3A_158] : memref<2x1664x16xf32, #tpu.memory_space<vmem>> -> memref<1x1664x16xf32, #tpu.memory_space<vmem>>
    %dma_wait3A_160 = tpu.memref_squeeze %dma_wait3A_159 : memref<1x1664x16xf32, #tpu.memory_space<vmem>> -> memref<1664x16xf32, #tpu.memory_space<vmem>>
    tpu.wait_dma2 semaphore(%arg9 : memref<!tpu.dma_semaphore, #tpu.memory_space<semaphore_mem>>) src(%dma_wait3A_160 : memref<1664x16xf32, #tpu.memory_space<vmem>>) dst(%dma_wait3A_156 : memref<1664x16xf32, #tpu.memory_space<hbm>>)
    %dma_start3A_161 = arith.constant 0 : i32
    %dma_start3A_162 = arith.constant 0 : i32
    %dma_start3A_163 = arith.constant 0 : i32
    %dma_start3A_164 = tpu.memref_slice %arg6[%dma_start3A_161, %dma_start3A_162, %dma_start3A_163] : memref<2x1664x16xf32, #tpu.memory_space<vmem>> -> memref<1x1664x16xf32, #tpu.memory_space<vmem>>
    %dma_start3A_165 = tpu.memref_squeeze %dma_start3A_164 : memref<1x1664x16xf32, #tpu.memory_space<vmem>> -> memref<1664x16xf32, #tpu.memory_space<vmem>>
    %dma_start3A_166 = arith.constant 6656 : i32
    %dma_start3A_167 = tpu.memref_slice %arg5[%dma_start3A_166] : memref<13312xi32, #tpu.memory_space<vmem>> -> memref<1664xi32, #tpu.memory_space<vmem>>
    %dma_start3A_168 = arith.constant 0 : i32
    %dma_start3A_169 = arith.constant 0 : i32
    %dma_start3A_170 = tpu.memref_slice %arg3[%dma_start3A_168, %dma_start3A_169] : memref<1015808x16xf32, #tpu.memory_space<hbm>> -> memref<1015808x16xf32, #tpu.memory_space<hbm>>
    tpu.enqueue_indirect_dma source(%dma_start3A_170 : memref<1015808x16xf32, #tpu.memory_space<hbm>>) target(%dma_start3A_165 : memref<1664x16xf32, #tpu.memory_space<vmem>>) offsets(%dma_start3A_167 : memref<1664xi32, #tpu.memory_space<vmem>>) semaphore(%arg7 : memref<!tpu.dma_semaphore, #tpu.memory_space<semaphore_mem>>)
    %dma_wait3A_171 = arith.constant 1 : i32
    %dma_wait3A_172 = arith.constant 0 : i32
    %dma_wait3A_173 = arith.constant 0 : i32
    %dma_wait3A_174 = tpu.memref_slice %arg6[%dma_wait3A_171, %dma_wait3A_172, %dma_wait3A_173] : memref<2x1664x16xf32, #tpu.memory_space<vmem>> -> memref<1x1664x16xf32, #tpu.memory_space<vmem>>
    %dma_wait3A_175 = tpu.memref_squeeze %dma_wait3A_174 : memref<1x1664x16xf32, #tpu.memory_space<vmem>> -> memref<1664x16xf32, #tpu.memory_space<vmem>>
    %dma_wait3A_176 = arith.constant 4992 : i32
    %dma_wait3A_177 = tpu.memref_slice %arg5[%dma_wait3A_176] : memref<13312xi32, #tpu.memory_space<vmem>> -> memref<1664xi32, #tpu.memory_space<vmem>>
    %dma_wait3A_178 = arith.constant 0 : i32
    %dma_wait3A_179 = arith.constant 0 : i32
    %dma_wait3A_180 = tpu.memref_slice %arg3[%dma_wait3A_178, %dma_wait3A_179] : memref<1015808x16xf32, #tpu.memory_space<hbm>> -> memref<1015808x16xf32, #tpu.memory_space<hbm>>
    tpu.wait_indirect_dma semaphore(%arg8 : memref<!tpu.dma_semaphore, #tpu.memory_space<semaphore_mem>>) src(%dma_wait3A_180 : memref<1015808x16xf32, #tpu.memory_space<hbm>>) dst(%dma_wait3A_175 : memref<1664x16xf32, #tpu.memory_space<vmem>>)
    %mul3A_181 = arith.constant 13312 : i32
    %mul3A_182 = arith.muli %add3A, %mul3A_181 : i32
    %add3A_183 = arith.constant 4992 : i32
    %add3A_184 = arith.addi %mul3A_182, %add3A_183 : i32
    %dma_start3A_185 = arith.constant 1 : i32
    %dma_start3A_186 = arith.constant 0 : i32
    %dma_start3A_187 = arith.constant 0 : i32
    %dma_start3A_188 = tpu.memref_slice %arg6[%dma_start3A_185, %dma_start3A_186, %dma_start3A_187] : memref<2x1664x16xf32, #tpu.memory_space<vmem>> -> memref<1x1664x16xf32, #tpu.memory_space<vmem>>
    %dma_start3A_189 = tpu.memref_squeeze %dma_start3A_188 : memref<1x1664x16xf32, #tpu.memory_space<vmem>> -> memref<1664x16xf32, #tpu.memory_space<vmem>>
    %dma_start3A_190 = arith.constant 0 : i32
    %dma_start3A_191 = tpu.memref_slice %arg4[%add3A_184, %dma_start3A_190] : memref<425984x16xf32, #tpu.memory_space<hbm>> -> memref<1664x16xf32, #tpu.memory_space<hbm>>
    %dma_start3A_192 = arith.constant 0 : i32
    %dma_start3A_193 = tpu.memref_slice %arg4[%add3A_184, %dma_start3A_192] : memref<425984x16xf32, #tpu.memory_space<hbm>> -> memref<1664x16xf32, #tpu.memory_space<hbm>>
    %dma_start3A_194 = arith.constant 0 : i32
    %dma_start3A_195 = arith.constant 0 : i32
    %dma_start3A_196 = tpu.memref_slice %arg6[%dma_start3A_185, %dma_start3A_194, %dma_start3A_195] : memref<2x1664x16xf32, #tpu.memory_space<vmem>> -> memref<1x1664x16xf32, #tpu.memory_space<vmem>>
    %dma_start3A_197 = tpu.memref_squeeze %dma_start3A_196 : memref<1x1664x16xf32, #tpu.memory_space<vmem>> -> memref<1664x16xf32, #tpu.memory_space<vmem>>
    tpu.enqueue_dma source(%dma_start3A_197 : memref<1664x16xf32, #tpu.memory_space<vmem>>) target(%dma_start3A_193 : memref<1664x16xf32, #tpu.memory_space<hbm>>) target_semaphore(%arg10 : memref<!tpu.dma_semaphore, #tpu.memory_space<semaphore_mem>>)
    %dma_wait3A_198 = arith.constant 1 : i32
    %dma_wait3A_199 = arith.constant 0 : i32
    %dma_wait3A_200 = arith.constant 0 : i32
    %dma_wait3A_201 = tpu.memref_slice %arg6[%dma_wait3A_198, %dma_wait3A_199, %dma_wait3A_200] : memref<2x1664x16xf32, #tpu.memory_space<vmem>> -> memref<1x1664x16xf32, #tpu.memory_space<vmem>>
    %dma_wait3A_202 = tpu.memref_squeeze %dma_wait3A_201 : memref<1x1664x16xf32, #tpu.memory_space<vmem>> -> memref<1664x16xf32, #tpu.memory_space<vmem>>
    %dma_wait3A_203 = arith.constant 0 : i32
    %dma_wait3A_204 = tpu.memref_slice %arg4[%add3A_184, %dma_wait3A_203] : memref<425984x16xf32, #tpu.memory_space<hbm>> -> memref<1664x16xf32, #tpu.memory_space<hbm>>
    %dma_wait3A_205 = arith.constant 0 : i32
    %dma_wait3A_206 = tpu.memref_slice %arg4[%add3A_184, %dma_wait3A_205] : memref<425984x16xf32, #tpu.memory_space<hbm>> -> memref<1664x16xf32, #tpu.memory_space<hbm>>
    %dma_wait3A_207 = arith.constant 0 : i32
    %dma_wait3A_208 = arith.constant 0 : i32
    %dma_wait3A_209 = tpu.memref_slice %arg6[%dma_wait3A_198, %dma_wait3A_207, %dma_wait3A_208] : memref<2x1664x16xf32, #tpu.memory_space<vmem>> -> memref<1x1664x16xf32, #tpu.memory_space<vmem>>
    %dma_wait3A_210 = tpu.memref_squeeze %dma_wait3A_209 : memref<1x1664x16xf32, #tpu.memory_space<vmem>> -> memref<1664x16xf32, #tpu.memory_space<vmem>>
    tpu.wait_dma2 semaphore(%arg10 : memref<!tpu.dma_semaphore, #tpu.memory_space<semaphore_mem>>) src(%dma_wait3A_210 : memref<1664x16xf32, #tpu.memory_space<vmem>>) dst(%dma_wait3A_206 : memref<1664x16xf32, #tpu.memory_space<hbm>>)
    %dma_start3A_211 = arith.constant 1 : i32
    %dma_start3A_212 = arith.constant 0 : i32
    %dma_start3A_213 = arith.constant 0 : i32
    %dma_start3A_214 = tpu.memref_slice %arg6[%dma_start3A_211, %dma_start3A_212, %dma_start3A_213] : memref<2x1664x16xf32, #tpu.memory_space<vmem>> -> memref<1x1664x16xf32, #tpu.memory_space<vmem>>
    %dma_start3A_215 = tpu.memref_squeeze %dma_start3A_214 : memref<1x1664x16xf32, #tpu.memory_space<vmem>> -> memref<1664x16xf32, #tpu.memory_space<vmem>>
    %dma_start3A_216 = arith.constant 8320 : i32
    %dma_start3A_217 = tpu.memref_slice %arg5[%dma_start3A_216] : memref<13312xi32, #tpu.memory_space<vmem>> -> memref<1664xi32, #tpu.memory_space<vmem>>
    %dma_start3A_218 = arith.constant 0 : i32
    %dma_start3A_219 = arith.constant 0 : i32
    %dma_start3A_220 = tpu.memref_slice %arg3[%dma_start3A_218, %dma_start3A_219] : memref<1015808x16xf32, #tpu.memory_space<hbm>> -> memref<1015808x16xf32, #tpu.memory_space<hbm>>
    tpu.enqueue_indirect_dma source(%dma_start3A_220 : memref<1015808x16xf32, #tpu.memory_space<hbm>>) target(%dma_start3A_215 : memref<1664x16xf32, #tpu.memory_space<vmem>>) offsets(%dma_start3A_217 : memref<1664xi32, #tpu.memory_space<vmem>>) semaphore(%arg8 : memref<!tpu.dma_semaphore, #tpu.memory_space<semaphore_mem>>)
    %dma_wait3A_221 = arith.constant 0 : i32
    %dma_wait3A_222 = arith.constant 0 : i32
    %dma_wait3A_223 = arith.constant 0 : i32
    %dma_wait3A_224 = tpu.memref_slice %arg6[%dma_wait3A_221, %dma_wait3A_222, %dma_wait3A_223] : memref<2x1664x16xf32, #tpu.memory_space<vmem>> -> memref<1x1664x16xf32, #tpu.memory_space<vmem>>
    %dma_wait3A_225 = tpu.memref_squeeze %dma_wait3A_224 : memref<1x1664x16xf32, #tpu.memory_space<vmem>> -> memref<1664x16xf32, #tpu.memory_space<vmem>>
    %dma_wait3A_226 = arith.constant 6656 : i32
    %dma_wait3A_227 = tpu.memref_slice %arg5[%dma_wait3A_226] : memref<13312xi32, #tpu.memory_space<vmem>> -> memref<1664xi32, #tpu.memory_space<vmem>>
    %dma_wait3A_228 = arith.constant 0 : i32
    %dma_wait3A_229 = arith.constant 0 : i32
    %dma_wait3A_230 = tpu.memref_slice %arg3[%dma_wait3A_228, %dma_wait3A_229] : memref<1015808x16xf32, #tpu.memory_space<hbm>> -> memref<1015808x16xf32, #tpu.memory_space<hbm>>
    tpu.wait_indirect_dma semaphore(%arg7 : memref<!tpu.dma_semaphore, #tpu.memory_space<semaphore_mem>>) src(%dma_wait3A_230 : memref<1015808x16xf32, #tpu.memory_space<hbm>>) dst(%dma_wait3A_225 : memref<1664x16xf32, #tpu.memory_space<vmem>>)
    %mul3A_231 = arith.constant 13312 : i32
    %mul3A_232 = arith.muli %add3A, %mul3A_231 : i32
    %add3A_233 = arith.constant 6656 : i32
    %add3A_234 = arith.addi %mul3A_232, %add3A_233 : i32
    %dma_start3A_235 = arith.constant 0 : i32
    %dma_start3A_236 = arith.constant 0 : i32
    %dma_start3A_237 = arith.constant 0 : i32
    %dma_start3A_238 = tpu.memref_slice %arg6[%dma_start3A_235, %dma_start3A_236, %dma_start3A_237] : memref<2x1664x16xf32, #tpu.memory_space<vmem>> -> memref<1x1664x16xf32, #tpu.memory_space<vmem>>
    %dma_start3A_239 = tpu.memref_squeeze %dma_start3A_238 : memref<1x1664x16xf32, #tpu.memory_space<vmem>> -> memref<1664x16xf32, #tpu.memory_space<vmem>>
    %dma_start3A_240 = arith.constant 0 : i32
    %dma_start3A_241 = tpu.memref_slice %arg4[%add3A_234, %dma_start3A_240] : memref<425984x16xf32, #tpu.memory_space<hbm>> -> memref<1664x16xf32, #tpu.memory_space<hbm>>
    %dma_start3A_242 = arith.constant 0 : i32
    %dma_start3A_243 = tpu.memref_slice %arg4[%add3A_234, %dma_start3A_242] : memref<425984x16xf32, #tpu.memory_space<hbm>> -> memref<1664x16xf32, #tpu.memory_space<hbm>>
    %dma_start3A_244 = arith.constant 0 : i32
    %dma_start3A_245 = arith.constant 0 : i32
    %dma_start3A_246 = tpu.memref_slice %arg6[%dma_start3A_235, %dma_start3A_244, %dma_start3A_245] : memref<2x1664x16xf32, #tpu.memory_space<vmem>> -> memref<1x1664x16xf32, #tpu.memory_space<vmem>>
    %dma_start3A_247 = tpu.memref_squeeze %dma_start3A_246 : memref<1x1664x16xf32, #tpu.memory_space<vmem>> -> memref<1664x16xf32, #tpu.memory_space<vmem>>
    tpu.enqueue_dma source(%dma_start3A_247 : memref<1664x16xf32, #tpu.memory_space<vmem>>) target(%dma_start3A_243 : memref<1664x16xf32, #tpu.memory_space<hbm>>) target_semaphore(%arg9 : memref<!tpu.dma_semaphore, #tpu.memory_space<semaphore_mem>>)
    %dma_wait3A_248 = arith.constant 0 : i32
    %dma_wait3A_249 = arith.constant 0 : i32
    %dma_wait3A_250 = arith.constant 0 : i32
    %dma_wait3A_251 = tpu.memref_slice %arg6[%dma_wait3A_248, %dma_wait3A_249, %dma_wait3A_250] : memref<2x1664x16xf32, #tpu.memory_space<vmem>> -> memref<1x1664x16xf32, #tpu.memory_space<vmem>>
    %dma_wait3A_252 = tpu.memref_squeeze %dma_wait3A_251 : memref<1x1664x16xf32, #tpu.memory_space<vmem>> -> memref<1664x16xf32, #tpu.memory_space<vmem>>
    %dma_wait3A_253 = arith.constant 0 : i32
    %dma_wait3A_254 = tpu.memref_slice %arg4[%add3A_234, %dma_wait3A_253] : memref<425984x16xf32, #tpu.memory_space<hbm>> -> memref<1664x16xf32, #tpu.memory_space<hbm>>
    %dma_wait3A_255 = arith.constant 0 : i32
    %dma_wait3A_256 = tpu.memref_slice %arg4[%add3A_234, %dma_wait3A_255] : memref<425984x16xf32, #tpu.memory_space<hbm>> -> memref<1664x16xf32, #tpu.memory_space<hbm>>
    %dma_wait3A_257 = arith.constant 0 : i32
    %dma_wait3A_258 = arith.constant 0 : i32
    %dma_wait3A_259 = tpu.memref_slice %arg6[%dma_wait3A_248, %dma_wait3A_257, %dma_wait3A_258] : memref<2x1664x16xf32, #tpu.memory_space<vmem>> -> memref<1x1664x16xf32, #tpu.memory_space<vmem>>
    %dma_wait3A_260 = tpu.memref_squeeze %dma_wait3A_259 : memref<1x1664x16xf32, #tpu.memory_space<vmem>> -> memref<1664x16xf32, #tpu.memory_space<vmem>>
    tpu.wait_dma2 semaphore(%arg9 : memref<!tpu.dma_semaphore, #tpu.memory_space<semaphore_mem>>) src(%dma_wait3A_260 : memref<1664x16xf32, #tpu.memory_space<vmem>>) dst(%dma_wait3A_256 : memref<1664x16xf32, #tpu.memory_space<hbm>>)
    %dma_start3A_261 = arith.constant 0 : i32
    %dma_start3A_262 = arith.constant 0 : i32
    %dma_start3A_263 = arith.constant 0 : i32
    %dma_start3A_264 = tpu.memref_slice %arg6[%dma_start3A_261, %dma_start3A_262, %dma_start3A_263] : memref<2x1664x16xf32, #tpu.memory_space<vmem>> -> memref<1x1664x16xf32, #tpu.memory_space<vmem>>
    %dma_start3A_265 = tpu.memref_squeeze %dma_start3A_264 : memref<1x1664x16xf32, #tpu.memory_space<vmem>> -> memref<1664x16xf32, #tpu.memory_space<vmem>>
    %dma_start3A_266 = arith.constant 9984 : i32
    %dma_start3A_267 = tpu.memref_slice %arg5[%dma_start3A_266] : memref<13312xi32, #tpu.memory_space<vmem>> -> memref<1664xi32, #tpu.memory_space<vmem>>
    %dma_start3A_268 = arith.constant 0 : i32
    %dma_start3A_269 = arith.constant 0 : i32
    %dma_start3A_270 = tpu.memref_slice %arg3[%dma_start3A_268, %dma_start3A_269] : memref<1015808x16xf32, #tpu.memory_space<hbm>> -> memref<1015808x16xf32, #tpu.memory_space<hbm>>
    tpu.enqueue_indirect_dma source(%dma_start3A_270 : memref<1015808x16xf32, #tpu.memory_space<hbm>>) target(%dma_start3A_265 : memref<1664x16xf32, #tpu.memory_space<vmem>>) offsets(%dma_start3A_267 : memref<1664xi32, #tpu.memory_space<vmem>>) semaphore(%arg7 : memref<!tpu.dma_semaphore, #tpu.memory_space<semaphore_mem>>)
    %dma_wait3A_271 = arith.constant 1 : i32
    %dma_wait3A_272 = arith.constant 0 : i32
    %dma_wait3A_273 = arith.constant 0 : i32
    %dma_wait3A_274 = tpu.memref_slice %arg6[%dma_wait3A_271, %dma_wait3A_272, %dma_wait3A_273] : memref<2x1664x16xf32, #tpu.memory_space<vmem>> -> memref<1x1664x16xf32, #tpu.memory_space<vmem>>
    %dma_wait3A_275 = tpu.memref_squeeze %dma_wait3A_274 : memref<1x1664x16xf32, #tpu.memory_space<vmem>> -> memref<1664x16xf32, #tpu.memory_space<vmem>>
    %dma_wait3A_276 = arith.constant 8320 : i32
    %dma_wait3A_277 = tpu.memref_slice %arg5[%dma_wait3A_276] : memref<13312xi32, #tpu.memory_space<vmem>> -> memref<1664xi32, #tpu.memory_space<vmem>>
    %dma_wait3A_278 = arith.constant 0 : i32
    %dma_wait3A_279 = arith.constant 0 : i32
    %dma_wait3A_280 = tpu.memref_slice %arg3[%dma_wait3A_278, %dma_wait3A_279] : memref<1015808x16xf32, #tpu.memory_space<hbm>> -> memref<1015808x16xf32, #tpu.memory_space<hbm>>
    tpu.wait_indirect_dma semaphore(%arg8 : memref<!tpu.dma_semaphore, #tpu.memory_space<semaphore_mem>>) src(%dma_wait3A_280 : memref<1015808x16xf32, #tpu.memory_space<hbm>>) dst(%dma_wait3A_275 : memref<1664x16xf32, #tpu.memory_space<vmem>>)
    %mul3A_281 = arith.constant 13312 : i32
    %mul3A_282 = arith.muli %add3A, %mul3A_281 : i32
    %add3A_283 = arith.constant 8320 : i32
    %add3A_284 = arith.addi %mul3A_282, %add3A_283 : i32
    %dma_start3A_285 = arith.constant 1 : i32
    %dma_start3A_286 = arith.constant 0 : i32
    %dma_start3A_287 = arith.constant 0 : i32
    %dma_start3A_288 = tpu.memref_slice %arg6[%dma_start3A_285, %dma_start3A_286, %dma_start3A_287] : memref<2x1664x16xf32, #tpu.memory_space<vmem>> -> memref<1x1664x16xf32, #tpu.memory_space<vmem>>
    %dma_start3A_289 = tpu.memref_squeeze %dma_start3A_288 : memref<1x1664x16xf32, #tpu.memory_space<vmem>> -> memref<1664x16xf32, #tpu.memory_space<vmem>>
    %dma_start3A_290 = arith.constant 0 : i32
    %dma_start3A_291 = tpu.memref_slice %arg4[%add3A_284, %dma_start3A_290] : memref<425984x16xf32, #tpu.memory_space<hbm>> -> memref<1664x16xf32, #tpu.memory_space<hbm>>
    %dma_start3A_292 = arith.constant 0 : i32
    %dma_start3A_293 = tpu.memref_slice %arg4[%add3A_284, %dma_start3A_292] : memref<425984x16xf32, #tpu.memory_space<hbm>> -> memref<1664x16xf32, #tpu.memory_space<hbm>>
    %dma_start3A_294 = arith.constant 0 : i32
    %dma_start3A_295 = arith.constant 0 : i32
    %dma_start3A_296 = tpu.memref_slice %arg6[%dma_start3A_285, %dma_start3A_294, %dma_start3A_295] : memref<2x1664x16xf32, #tpu.memory_space<vmem>> -> memref<1x1664x16xf32, #tpu.memory_space<vmem>>
    %dma_start3A_297 = tpu.memref_squeeze %dma_start3A_296 : memref<1x1664x16xf32, #tpu.memory_space<vmem>> -> memref<1664x16xf32, #tpu.memory_space<vmem>>
    tpu.enqueue_dma source(%dma_start3A_297 : memref<1664x16xf32, #tpu.memory_space<vmem>>) target(%dma_start3A_293 : memref<1664x16xf32, #tpu.memory_space<hbm>>) target_semaphore(%arg10 : memref<!tpu.dma_semaphore, #tpu.memory_space<semaphore_mem>>)
    %dma_wait3A_298 = arith.constant 1 : i32
    %dma_wait3A_299 = arith.constant 0 : i32
    %dma_wait3A_300 = arith.constant 0 : i32
    %dma_wait3A_301 = tpu.memref_slice %arg6[%dma_wait3A_298, %dma_wait3A_299, %dma_wait3A_300] : memref<2x1664x16xf32, #tpu.memory_space<vmem>> -> memref<1x1664x16xf32, #tpu.memory_space<vmem>>
    %dma_wait3A_302 = tpu.memref_squeeze %dma_wait3A_301 : memref<1x1664x16xf32, #tpu.memory_space<vmem>> -> memref<1664x16xf32, #tpu.memory_space<vmem>>
    %dma_wait3A_303 = arith.constant 0 : i32
    %dma_wait3A_304 = tpu.memref_slice %arg4[%add3A_284, %dma_wait3A_303] : memref<425984x16xf32, #tpu.memory_space<hbm>> -> memref<1664x16xf32, #tpu.memory_space<hbm>>
    %dma_wait3A_305 = arith.constant 0 : i32
    %dma_wait3A_306 = tpu.memref_slice %arg4[%add3A_284, %dma_wait3A_305] : memref<425984x16xf32, #tpu.memory_space<hbm>> -> memref<1664x16xf32, #tpu.memory_space<hbm>>
    %dma_wait3A_307 = arith.constant 0 : i32
    %dma_wait3A_308 = arith.constant 0 : i32
    %dma_wait3A_309 = tpu.memref_slice %arg6[%dma_wait3A_298, %dma_wait3A_307, %dma_wait3A_308] : memref<2x1664x16xf32, #tpu.memory_space<vmem>> -> memref<1x1664x16xf32, #tpu.memory_space<vmem>>
    %dma_wait3A_310 = tpu.memref_squeeze %dma_wait3A_309 : memref<1x1664x16xf32, #tpu.memory_space<vmem>> -> memref<1664x16xf32, #tpu.memory_space<vmem>>
    tpu.wait_dma2 semaphore(%arg10 : memref<!tpu.dma_semaphore, #tpu.memory_space<semaphore_mem>>) src(%dma_wait3A_310 : memref<1664x16xf32, #tpu.memory_space<vmem>>) dst(%dma_wait3A_306 : memref<1664x16xf32, #tpu.memory_space<hbm>>)
    %dma_start3A_311 = arith.constant 1 : i32
    %dma_start3A_312 = arith.constant 0 : i32
    %dma_start3A_313 = arith.constant 0 : i32
    %dma_start3A_314 = tpu.memref_slice %arg6[%dma_start3A_311, %dma_start3A_312, %dma_start3A_313] : memref<2x1664x16xf32, #tpu.memory_space<vmem>> -> memref<1x1664x16xf32, #tpu.memory_space<vmem>>
    %dma_start3A_315 = tpu.memref_squeeze %dma_start3A_314 : memref<1x1664x16xf32, #tpu.memory_space<vmem>> -> memref<1664x16xf32, #tpu.memory_space<vmem>>
    %dma_start3A_316 = arith.constant 11648 : i32
    %dma_start3A_317 = tpu.memref_slice %arg5[%dma_start3A_316] : memref<13312xi32, #tpu.memory_space<vmem>> -> memref<1664xi32, #tpu.memory_space<vmem>>
    %dma_start3A_318 = arith.constant 0 : i32
    %dma_start3A_319 = arith.constant 0 : i32
    %dma_start3A_320 = tpu.memref_slice %arg3[%dma_start3A_318, %dma_start3A_319] : memref<1015808x16xf32, #tpu.memory_space<hbm>> -> memref<1015808x16xf32, #tpu.memory_space<hbm>>
    tpu.enqueue_indirect_dma source(%dma_start3A_320 : memref<1015808x16xf32, #tpu.memory_space<hbm>>) target(%dma_start3A_315 : memref<1664x16xf32, #tpu.memory_space<vmem>>) offsets(%dma_start3A_317 : memref<1664xi32, #tpu.memory_space<vmem>>) semaphore(%arg8 : memref<!tpu.dma_semaphore, #tpu.memory_space<semaphore_mem>>)
    %dma_wait3A_321 = arith.constant 0 : i32
    %dma_wait3A_322 = arith.constant 0 : i32
    %dma_wait3A_323 = arith.constant 0 : i32
    %dma_wait3A_324 = tpu.memref_slice %arg6[%dma_wait3A_321, %dma_wait3A_322, %dma_wait3A_323] : memref<2x1664x16xf32, #tpu.memory_space<vmem>> -> memref<1x1664x16xf32, #tpu.memory_space<vmem>>
    %dma_wait3A_325 = tpu.memref_squeeze %dma_wait3A_324 : memref<1x1664x16xf32, #tpu.memory_space<vmem>> -> memref<1664x16xf32, #tpu.memory_space<vmem>>
    %dma_wait3A_326 = arith.constant 9984 : i32
    %dma_wait3A_327 = tpu.memref_slice %arg5[%dma_wait3A_326] : memref<13312xi32, #tpu.memory_space<vmem>> -> memref<1664xi32, #tpu.memory_space<vmem>>
    %dma_wait3A_328 = arith.constant 0 : i32
    %dma_wait3A_329 = arith.constant 0 : i32
    %dma_wait3A_330 = tpu.memref_slice %arg3[%dma_wait3A_328, %dma_wait3A_329] : memref<1015808x16xf32, #tpu.memory_space<hbm>> -> memref<1015808x16xf32, #tpu.memory_space<hbm>>
    tpu.wait_indirect_dma semaphore(%arg7 : memref<!tpu.dma_semaphore, #tpu.memory_space<semaphore_mem>>) src(%dma_wait3A_330 : memref<1015808x16xf32, #tpu.memory_space<hbm>>) dst(%dma_wait3A_325 : memref<1664x16xf32, #tpu.memory_space<vmem>>)
    %mul3A_331 = arith.constant 13312 : i32
    %mul3A_332 = arith.muli %add3A, %mul3A_331 : i32
    %add3A_333 = arith.constant 9984 : i32
    %add3A_334 = arith.addi %mul3A_332, %add3A_333 : i32
    %dma_start3A_335 = arith.constant 0 : i32
    %dma_start3A_336 = arith.constant 0 : i32
    %dma_start3A_337 = arith.constant 0 : i32
    %dma_start3A_338 = tpu.memref_slice %arg6[%dma_start3A_335, %dma_start3A_336, %dma_start3A_337] : memref<2x1664x16xf32, #tpu.memory_space<vmem>> -> memref<1x1664x16xf32, #tpu.memory_space<vmem>>
    %dma_start3A_339 = tpu.memref_squeeze %dma_start3A_338 : memref<1x1664x16xf32, #tpu.memory_space<vmem>> -> memref<1664x16xf32, #tpu.memory_space<vmem>>
    %dma_start3A_340 = arith.constant 0 : i32
    %dma_start3A_341 = tpu.memref_slice %arg4[%add3A_334, %dma_start3A_340] : memref<425984x16xf32, #tpu.memory_space<hbm>> -> memref<1664x16xf32, #tpu.memory_space<hbm>>
    %dma_start3A_342 = arith.constant 0 : i32
    %dma_start3A_343 = tpu.memref_slice %arg4[%add3A_334, %dma_start3A_342] : memref<425984x16xf32, #tpu.memory_space<hbm>> -> memref<1664x16xf32, #tpu.memory_space<hbm>>
    %dma_start3A_344 = arith.constant 0 : i32
    %dma_start3A_345 = arith.constant 0 : i32
    %dma_start3A_346 = tpu.memref_slice %arg6[%dma_start3A_335, %dma_start3A_344, %dma_start3A_345] : memref<2x1664x16xf32, #tpu.memory_space<vmem>> -> memref<1x1664x16xf32, #tpu.memory_space<vmem>>
    %dma_start3A_347 = tpu.memref_squeeze %dma_start3A_346 : memref<1x1664x16xf32, #tpu.memory_space<vmem>> -> memref<1664x16xf32, #tpu.memory_space<vmem>>
    tpu.enqueue_dma source(%dma_start3A_347 : memref<1664x16xf32, #tpu.memory_space<vmem>>) target(%dma_start3A_343 : memref<1664x16xf32, #tpu.memory_space<hbm>>) target_semaphore(%arg9 : memref<!tpu.dma_semaphore, #tpu.memory_space<semaphore_mem>>)
    %dma_wait3A_348 = arith.constant 1 : i32
    %dma_wait3A_349 = arith.constant 0 : i32
    %dma_wait3A_350 = arith.constant 0 : i32
    %dma_wait3A_351 = tpu.memref_slice %arg6[%dma_wait3A_348, %dma_wait3A_349, %dma_wait3A_350] : memref<2x1664x16xf32, #tpu.memory_space<vmem>> -> memref<1x1664x16xf32, #tpu.memory_space<vmem>>
    %dma_wait3A_352 = tpu.memref_squeeze %dma_wait3A_351 : memref<1x1664x16xf32, #tpu.memory_space<vmem>> -> memref<1664x16xf32, #tpu.memory_space<vmem>>
    %dma_wait3A_353 = arith.constant 11648 : i32
    %dma_wait3A_354 = tpu.memref_slice %arg5[%dma_wait3A_353] : memref<13312xi32, #tpu.memory_space<vmem>> -> memref<1664xi32, #tpu.memory_space<vmem>>
    %dma_wait3A_355 = arith.constant 0 : i32
    %dma_wait3A_356 = arith.constant 0 : i32
    %dma_wait3A_357 = tpu.memref_slice %arg3[%dma_wait3A_355, %dma_wait3A_356] : memref<1015808x16xf32, #tpu.memory_space<hbm>> -> memref<1015808x16xf32, #tpu.memory_space<hbm>>
    tpu.wait_indirect_dma semaphore(%arg8 : memref<!tpu.dma_semaphore, #tpu.memory_space<semaphore_mem>>) src(%dma_wait3A_357 : memref<1015808x16xf32, #tpu.memory_space<hbm>>) dst(%dma_wait3A_352 : memref<1664x16xf32, #tpu.memory_space<vmem>>)
    %mul3A_358 = arith.constant 13312 : i32
    %mul3A_359 = arith.muli %add3A, %mul3A_358 : i32
    %add3A_360 = arith.constant 11648 : i32
    %add3A_361 = arith.addi %mul3A_359, %add3A_360 : i32
    %dma_start3A_362 = arith.constant 1 : i32
    %dma_start3A_363 = arith.constant 0 : i32
    %dma_start3A_364 = arith.constant 0 : i32
    %dma_start3A_365 = tpu.memref_slice %arg6[%dma_start3A_362, %dma_start3A_363, %dma_start3A_364] : memref<2x1664x16xf32, #tpu.memory_space<vmem>> -> memref<1x1664x16xf32, #tpu.memory_space<vmem>>
    %dma_start3A_366 = tpu.memref_squeeze %dma_start3A_365 : memref<1x1664x16xf32, #tpu.memory_space<vmem>> -> memref<1664x16xf32, #tpu.memory_space<vmem>>
    %dma_start3A_367 = arith.constant 0 : i32
    %dma_start3A_368 = tpu.memref_slice %arg4[%add3A_361, %dma_start3A_367] : memref<425984x16xf32, #tpu.memory_space<hbm>> -> memref<1664x16xf32, #tpu.memory_space<hbm>>
    %dma_start3A_369 = arith.constant 0 : i32
    %dma_start3A_370 = tpu.memref_slice %arg4[%add3A_361, %dma_start3A_369] : memref<425984x16xf32, #tpu.memory_space<hbm>> -> memref<1664x16xf32, #tpu.memory_space<hbm>>
    %dma_start3A_371 = arith.constant 0 : i32
    %dma_start3A_372 = arith.constant 0 : i32
    %dma_start3A_373 = tpu.memref_slice %arg6[%dma_start3A_362, %dma_start3A_371, %dma_start3A_372] : memref<2x1664x16xf32, #tpu.memory_space<vmem>> -> memref<1x1664x16xf32, #tpu.memory_space<vmem>>
    %dma_start3A_374 = tpu.memref_squeeze %dma_start3A_373 : memref<1x1664x16xf32, #tpu.memory_space<vmem>> -> memref<1664x16xf32, #tpu.memory_space<vmem>>
    tpu.enqueue_dma source(%dma_start3A_374 : memref<1664x16xf32, #tpu.memory_space<vmem>>) target(%dma_start3A_370 : memref<1664x16xf32, #tpu.memory_space<hbm>>) target_semaphore(%arg10 : memref<!tpu.dma_semaphore, #tpu.memory_space<semaphore_mem>>)
    %dma_wait3A_375 = arith.constant 0 : i32
    %dma_wait3A_376 = arith.constant 0 : i32
    %dma_wait3A_377 = arith.constant 0 : i32
    %dma_wait3A_378 = tpu.memref_slice %arg6[%dma_wait3A_375, %dma_wait3A_376, %dma_wait3A_377] : memref<2x1664x16xf32, #tpu.memory_space<vmem>> -> memref<1x1664x16xf32, #tpu.memory_space<vmem>>
    %dma_wait3A_379 = tpu.memref_squeeze %dma_wait3A_378 : memref<1x1664x16xf32, #tpu.memory_space<vmem>> -> memref<1664x16xf32, #tpu.memory_space<vmem>>
    %dma_wait3A_380 = arith.constant 0 : i32
    %dma_wait3A_381 = tpu.memref_slice %arg4[%add3A_334, %dma_wait3A_380] : memref<425984x16xf32, #tpu.memory_space<hbm>> -> memref<1664x16xf32, #tpu.memory_space<hbm>>
    %dma_wait3A_382 = arith.constant 0 : i32
    %dma_wait3A_383 = tpu.memref_slice %arg4[%add3A_334, %dma_wait3A_382] : memref<425984x16xf32, #tpu.memory_space<hbm>> -> memref<1664x16xf32, #tpu.memory_space<hbm>>
    %dma_wait3A_384 = arith.constant 0 : i32
    %dma_wait3A_385 = arith.constant 0 : i32
    %dma_wait3A_386 = tpu.memref_slice %arg6[%dma_wait3A_375, %dma_wait3A_384, %dma_wait3A_385] : memref<2x1664x16xf32, #tpu.memory_space<vmem>> -> memref<1x1664x16xf32, #tpu.memory_space<vmem>>
    %dma_wait3A_387 = tpu.memref_squeeze %dma_wait3A_386 : memref<1x1664x16xf32, #tpu.memory_space<vmem>> -> memref<1664x16xf32, #tpu.memory_space<vmem>>
    tpu.wait_dma2 semaphore(%arg9 : memref<!tpu.dma_semaphore, #tpu.memory_space<semaphore_mem>>) src(%dma_wait3A_387 : memref<1664x16xf32, #tpu.memory_space<vmem>>) dst(%dma_wait3A_383 : memref<1664x16xf32, #tpu.memory_space<hbm>>)
    %dma_wait3A_388 = arith.constant 1 : i32
    %dma_wait3A_389 = arith.constant 0 : i32
    %dma_wait3A_390 = arith.constant 0 : i32
    %dma_wait3A_391 = tpu.memref_slice %arg6[%dma_wait3A_388, %dma_wait3A_389, %dma_wait3A_390] : memref<2x1664x16xf32, #tpu.memory_space<vmem>> -> memref<1x1664x16xf32, #tpu.memory_space<vmem>>
    %dma_wait3A_392 = tpu.memref_squeeze %dma_wait3A_391 : memref<1x1664x16xf32, #tpu.memory_space<vmem>> -> memref<1664x16xf32, #tpu.memory_space<vmem>>
    %dma_wait3A_393 = arith.constant 0 : i32
    %dma_wait3A_394 = tpu.memref_slice %arg4[%add3A_361, %dma_wait3A_393] : memref<425984x16xf32, #tpu.memory_space<hbm>> -> memref<1664x16xf32, #tpu.memory_space<hbm>>
    %dma_wait3A_395 = arith.constant 0 : i32
    %dma_wait3A_396 = tpu.memref_slice %arg4[%add3A_361, %dma_wait3A_395] : memref<425984x16xf32, #tpu.memory_space<hbm>> -> memref<1664x16xf32, #tpu.memory_space<hbm>>
    %dma_wait3A_397 = arith.constant 0 : i32
    %dma_wait3A_398 = arith.constant 0 : i32
    %dma_wait3A_399 = tpu.memref_slice %arg6[%dma_wait3A_388, %dma_wait3A_397, %dma_wait3A_398] : memref<2x1664x16xf32, #tpu.memory_space<vmem>> -> memref<1x1664x16xf32, #tpu.memory_space<vmem>>
    %dma_wait3A_400 = tpu.memref_squeeze %dma_wait3A_399 : memref<1x1664x16xf32, #tpu.memory_space<vmem>> -> memref<1664x16xf32, #tpu.memory_space<vmem>>
    tpu.wait_dma2 semaphore(%arg10 : memref<!tpu.dma_semaphore, #tpu.memory_space<semaphore_mem>>) src(%dma_wait3A_400 : memref<1664x16xf32, #tpu.memory_space<vmem>>) dst(%dma_wait3A_396 : memref<1664x16xf32, #tpu.memory_space<hbm>>)
    return
  }
}

module attributes {stable_mosaic.version = 14 : i64} {
  func.func @_relayout_body(%arg0: i32, %arg1: memref<16x4096xf32, #tpu.memory_space<vmem>>, %arg2: memref<16x4096xf32, #tpu.memory_space<vmem>>, %arg3: memref<16x4096xf32, #tpu.memory_space<vmem>>, %arg4: memref<16x4096xf32, #tpu.memory_space<vmem>>, %arg5: memref<16x4096xf32, #tpu.memory_space<vmem>>, %arg6: memref<16x4096xf32, #tpu.memory_space<vmem>>, %arg7: memref<16x4096xf32, #tpu.memory_space<vmem>>, %arg8: memref<16x4096xf32, #tpu.memory_space<vmem>>, %arg9: memref<4096x128xf32, #tpu.memory_space<vmem>>) attributes {dimension_semantics = [#tpu.dimension_semantics<arbitrary>], iteration_bounds = array<i64: 31>, scalar_prefetch = 0 : i64, scratch_operands = 0 : i64, tpu.core_type = #tpu.core_type<tc>, window_params = [{transform_indices = @transform_0, window_bounds = array<i64: 16, 4096>}, {transform_indices = @transform_1, window_bounds = array<i64: 16, 4096>}, {transform_indices = @transform_2, window_bounds = array<i64: 16, 4096>}, {transform_indices = @transform_3, window_bounds = array<i64: 16, 4096>}, {transform_indices = @transform_4, window_bounds = array<i64: 16, 4096>}, {transform_indices = @transform_5, window_bounds = array<i64: 16, 4096>}, {transform_indices = @transform_6, window_bounds = array<i64: 16, 4096>}, {transform_indices = @transform_7, window_bounds = array<i64: 16, 4096>}, {transform_indices = @transform_8, window_bounds = array<i64: 4096, 128>}]} {
    %get3A = arith.constant 0 : index
    %get3A_0 = arith.constant 0 : index
    %get3A_1 = vector.load %arg1[%get3A, %get3A_0] : memref<16x4096xf32, #tpu.memory_space<vmem>>, vector<16x4096xf32>
    %transpose3A = tpu.transpose %get3A_1, [1, 0] : vector<16x4096xf32> -> vector<4096x16xf32>
    %get3A_2 = arith.constant 0 : index
    %get3A_3 = arith.constant 0 : index
    %get3A_4 = vector.load %arg2[%get3A_2, %get3A_3] : memref<16x4096xf32, #tpu.memory_space<vmem>>, vector<16x4096xf32>
    %transpose3A_5 = tpu.transpose %get3A_4, [1, 0] : vector<16x4096xf32> -> vector<4096x16xf32>
    %get3A_6 = arith.constant 0 : index
    %get3A_7 = arith.constant 0 : index
    %get3A_8 = vector.load %arg3[%get3A_6, %get3A_7] : memref<16x4096xf32, #tpu.memory_space<vmem>>, vector<16x4096xf32>
    %transpose3A_9 = tpu.transpose %get3A_8, [1, 0] : vector<16x4096xf32> -> vector<4096x16xf32>
    %get3A_10 = arith.constant 0 : index
    %get3A_11 = arith.constant 0 : index
    %get3A_12 = vector.load %arg4[%get3A_10, %get3A_11] : memref<16x4096xf32, #tpu.memory_space<vmem>>, vector<16x4096xf32>
    %transpose3A_13 = tpu.transpose %get3A_12, [1, 0] : vector<16x4096xf32> -> vector<4096x16xf32>
    %get3A_14 = arith.constant 0 : index
    %get3A_15 = arith.constant 0 : index
    %get3A_16 = vector.load %arg5[%get3A_14, %get3A_15] : memref<16x4096xf32, #tpu.memory_space<vmem>>, vector<16x4096xf32>
    %transpose3A_17 = tpu.transpose %get3A_16, [1, 0] : vector<16x4096xf32> -> vector<4096x16xf32>
    %get3A_18 = arith.constant 0 : index
    %get3A_19 = arith.constant 0 : index
    %get3A_20 = vector.load %arg6[%get3A_18, %get3A_19] : memref<16x4096xf32, #tpu.memory_space<vmem>>, vector<16x4096xf32>
    %transpose3A_21 = tpu.transpose %get3A_20, [1, 0] : vector<16x4096xf32> -> vector<4096x16xf32>
    %get3A_22 = arith.constant 0 : index
    %get3A_23 = arith.constant 0 : index
    %get3A_24 = vector.load %arg7[%get3A_22, %get3A_23] : memref<16x4096xf32, #tpu.memory_space<vmem>>, vector<16x4096xf32>
    %transpose3A_25 = tpu.transpose %get3A_24, [1, 0] : vector<16x4096xf32> -> vector<4096x16xf32>
    %get3A_26 = arith.constant 0 : index
    %get3A_27 = arith.constant 0 : index
    %get3A_28 = vector.load %arg8[%get3A_26, %get3A_27] : memref<16x4096xf32, #tpu.memory_space<vmem>>, vector<16x4096xf32>
    %transpose3A_29 = tpu.transpose %get3A_28, [1, 0] : vector<16x4096xf32> -> vector<4096x16xf32>
    %concatenate3A = tpu.concatenate %transpose3A, %transpose3A_5, %transpose3A_9, %transpose3A_13, %transpose3A_17, %transpose3A_21, %transpose3A_25, %transpose3A_29 in 1 : vector<4096x16xf32>, vector<4096x16xf32>, vector<4096x16xf32>, vector<4096x16xf32>, vector<4096x16xf32>, vector<4096x16xf32>, vector<4096x16xf32>, vector<4096x16xf32> -> vector<4096x128xf32>
    %swap3A = arith.constant 0 : index
    %swap3A_30 = arith.constant 0 : index
    %swap3A_31 = vector.load %arg9[%swap3A, %swap3A_30] : memref<4096x128xf32, #tpu.memory_space<vmem>>, vector<4096x128xf32>
    tpu.vector_store %arg9[%swap3A, %swap3A_30], %concatenate3A {strides = array<i32>} : memref<4096x128xf32, #tpu.memory_space<vmem>>, vector<4096x128xf32>,
    return
  }
  func.func @transform_0(%arg0: i32) -> (i32, i32) {
    %add3A = arith.constant 0 : i32
    %add3A_0 = arith.addi %add3A, %arg0 : i32
    %c0_i32 = arith.constant 0 : i32
    %c0_i32_1 = arith.constant 0 : i32
    return %c0_i32, %add3A_0 : i32, i32
  }
  func.func @transform_1(%arg0: i32) -> (i32, i32) {
    %add3A = arith.constant 31 : i32
    %add3A_0 = arith.addi %add3A, %arg0 : i32
    %c0_i32 = arith.constant 0 : i32
    %c0_i32_1 = arith.constant 0 : i32
    return %c0_i32, %add3A_0 : i32, i32
  }
  func.func @transform_2(%arg0: i32) -> (i32, i32) {
    %add3A = arith.constant 62 : i32
    %add3A_0 = arith.addi %add3A, %arg0 : i32
    %c0_i32 = arith.constant 0 : i32
    %c0_i32_1 = arith.constant 0 : i32
    return %c0_i32, %add3A_0 : i32, i32
  }
  func.func @transform_3(%arg0: i32) -> (i32, i32) {
    %add3A = arith.constant 93 : i32
    %add3A_0 = arith.addi %add3A, %arg0 : i32
    %c0_i32 = arith.constant 0 : i32
    %c0_i32_1 = arith.constant 0 : i32
    return %c0_i32, %add3A_0 : i32, i32
  }
  func.func @transform_4(%arg0: i32) -> (i32, i32) {
    %add3A = arith.constant 124 : i32
    %add3A_0 = arith.addi %add3A, %arg0 : i32
    %c0_i32 = arith.constant 0 : i32
    %c0_i32_1 = arith.constant 0 : i32
    return %c0_i32, %add3A_0 : i32, i32
  }
  func.func @transform_5(%arg0: i32) -> (i32, i32) {
    %add3A = arith.constant 155 : i32
    %add3A_0 = arith.addi %add3A, %arg0 : i32
    %c0_i32 = arith.constant 0 : i32
    %c0_i32_1 = arith.constant 0 : i32
    return %c0_i32, %add3A_0 : i32, i32
  }
  func.func @transform_6(%arg0: i32) -> (i32, i32) {
    %add3A = arith.constant 186 : i32
    %add3A_0 = arith.addi %add3A, %arg0 : i32
    %c0_i32 = arith.constant 0 : i32
    %c0_i32_1 = arith.constant 0 : i32
    return %c0_i32, %add3A_0 : i32, i32
  }
  func.func @transform_7(%arg0: i32) -> (i32, i32) {
    %add3A = arith.constant 217 : i32
    %add3A_0 = arith.addi %add3A, %arg0 : i32
    %c0_i32 = arith.constant 0 : i32
    %c0_i32_1 = arith.constant 0 : i32
    return %c0_i32, %add3A_0 : i32, i32
  }
  func.func @transform_8(%arg0: i32) -> (i32, i32) {
    %c0_i32 = arith.constant 0 : i32
    %c0_i32_0 = arith.constant 0 : i32
    return %arg0, %c0_i32 : i32, i32
  }
}

module attributes {stable_mosaic.version = 14 : i64} {
  func.func @_mlp_body(%arg0: i32, %arg1: memref<1024x416xf32, #tpu.memory_space<vmem>>, %arg2: memref<416x256xf32, #tpu.memory_space<vmem>>, %arg3: memref<1x256xf32, #tpu.memory_space<vmem>>, %arg4: memref<256x64xf32, #tpu.memory_space<vmem>>, %arg5: memref<1x64xf32, #tpu.memory_space<vmem>>, %arg6: memref<1024x64xf32, #tpu.memory_space<vmem>>) attributes {dimension_semantics = [#tpu.dimension_semantics<arbitrary>], iteration_bounds = array<i64: 16>, scalar_prefetch = 0 : i64, scratch_operands = 0 : i64, tpu.core_type = #tpu.core_type<tc>, window_params = [{transform_indices = @transform_0, window_bounds = array<i64: 1024, 416>}, {pipeline_mode = #tpu.pipeline_mode<synchronous>, transform_indices = @transform_1, window_bounds = array<i64: 416, 256>}, {pipeline_mode = #tpu.pipeline_mode<synchronous>, transform_indices = @transform_2, window_bounds = array<i64: 1, 256>}, {pipeline_mode = #tpu.pipeline_mode<synchronous>, transform_indices = @transform_3, window_bounds = array<i64: 256, 64>}, {pipeline_mode = #tpu.pipeline_mode<synchronous>, transform_indices = @transform_4, window_bounds = array<i64: 1, 64>}, {transform_indices = @transform_5, window_bounds = array<i64: 1024, 64>}]} {
    %get3A = arith.constant 0 : index
    %get3A_0 = arith.constant 0 : index
    %get3A_1 = vector.load %arg1[%get3A, %get3A_0] : memref<1024x416xf32, #tpu.memory_space<vmem>>, vector<1024x416xf32>
    %get3A_2 = arith.constant 0 : index
    %get3A_3 = arith.constant 0 : index
    %get3A_4 = vector.load %arg2[%get3A_2, %get3A_3] : memref<416x256xf32, #tpu.memory_space<vmem>>, vector<416x256xf32>
    %dot_general3A = arith.constant dense<0.000000e+00> : vector<1024x256xf32>
    %dot_general3A_5 = tpu.matmul %get3A_1, %get3A_4, %dot_general3A {dimension_numbers = #tpu.dot_dimension_numbers<[1], [0], [0], [1], [0, 0, 1, 1], [], []>, transpose_lhs_hint = false} : vector<1024x416xf32>, vector<416x256xf32>, vector<1024x256xf32> -> vector<1024x256xf32>
    %get3A_6 = arith.constant 0 : index
    %get3A_7 = arith.constant 0 : index
    %get3A_8 = vector.load %arg3[%get3A_6, %get3A_7] : memref<1x256xf32, #tpu.memory_space<vmem>>, vector<1x256xf32>
    %add3A = vector.broadcast %get3A_8 : vector<1x256xf32> to vector<1024x256xf32>
    %add3A_9 = arith.addf %dot_general3A_5, %add3A : vector<1024x256xf32>
    %max3A = arith.constant 0.000000e+00 : f32
    %max3A_10 = vector.broadcast %max3A : f32 to vector<1024x256xf32>
    %max3A_11 = arith.maximumf %add3A_9, %max3A_10 : vector<1024x256xf32>
    %get3A_12 = arith.constant 0 : index
    %get3A_13 = arith.constant 0 : index
    %get3A_14 = vector.load %arg4[%get3A_12, %get3A_13] : memref<256x64xf32, #tpu.memory_space<vmem>>, vector<256x64xf32>
    %dot_general3A_15 = arith.constant dense<0.000000e+00> : vector<1024x64xf32>
    %dot_general3A_16 = tpu.matmul %max3A_11, %get3A_14, %dot_general3A_15 {dimension_numbers = #tpu.dot_dimension_numbers<[1], [0], [0], [1], [0, 0, 1, 1], [], []>, transpose_lhs_hint = false} : vector<1024x256xf32>, vector<256x64xf32>, vector<1024x64xf32> -> vector<1024x64xf32>
    %get3A_17 = arith.constant 0 : index
    %get3A_18 = arith.constant 0 : index
    %get3A_19 = vector.load %arg5[%get3A_17, %get3A_18] : memref<1x64xf32, #tpu.memory_space<vmem>>, vector<1x64xf32>
    %add3A_20 = vector.broadcast %get3A_19 : vector<1x64xf32> to vector<1024x64xf32>
    %add3A_21 = arith.addf %dot_general3A_16, %add3A_20 : vector<1024x64xf32>
    %swap3A = arith.constant 0 : index
    %swap3A_22 = arith.constant 0 : index
    %swap3A_23 = vector.load %arg6[%swap3A, %swap3A_22] : memref<1024x64xf32, #tpu.memory_space<vmem>>, vector<1024x64xf32>
    tpu.vector_store %arg6[%swap3A, %swap3A_22], %add3A_21 {strides = array<i32>} : memref<1024x64xf32, #tpu.memory_space<vmem>>, vector<1024x64xf32>,
    return
  }
  func.func @transform_0(%arg0: i32) -> (i32, i32) {
    %c0_i32 = arith.constant 0 : i32
    %c0_i32_0 = arith.constant 0 : i32
    return %arg0, %c0_i32 : i32, i32
  }
  func.func @transform_1(%arg0: i32) -> (i32, i32) {
    %c0_i32 = arith.constant 0 : i32
    %c0_i32_0 = arith.constant 0 : i32
    %c0_i32_1 = arith.constant 0 : i32
    return %c0_i32, %c0_i32_0 : i32, i32
  }
  func.func @transform_2(%arg0: i32) -> (i32, i32) {
    %c0_i32 = arith.constant 0 : i32
    %c0_i32_0 = arith.constant 0 : i32
    %c0_i32_1 = arith.constant 0 : i32
    return %c0_i32, %c0_i32_0 : i32, i32
  }
  func.func @transform_3(%arg0: i32) -> (i32, i32) {
    %c0_i32 = arith.constant 0 : i32
    %c0_i32_0 = arith.constant 0 : i32
    %c0_i32_1 = arith.constant 0 : i32
    return %c0_i32, %c0_i32_0 : i32, i32
  }
  func.func @transform_4(%arg0: i32) -> (i32, i32) {
    %c0_i32 = arith.constant 0 : i32
    %c0_i32_0 = arith.constant 0 : i32
    %c0_i32_1 = arith.constant 0 : i32
    return %c0_i32, %c0_i32_0 : i32, i32
  }
  func.func @transform_5(%arg0: i32) -> (i32, i32) {
    %c0_i32 = arith.constant 0 : i32
    %c0_i32_0 = arith.constant 0 : i32
    return %arg0, %c0_i32 : i32, i32
  }
}

</mosaic_0001>

<sc_bundles>
// kernel: kernel.5.cloned.1.call-start
scs
__scs_entry_jumppad:
0x0: {  	(pc) =	sbr.rel $0x88, $3  }
0x1: {  	(tag) =	ssettag $0x0;
	lr =	simm.s32 $0x1  }
0x2: {  	[smem:$0x3F9B] =	sst lr;
	_ =	strace $0xD0000000  }
0x3: {  	_ = 	snop  }
0x4: {  	_ = 	snop  }
0x5: {  	_ = 	snop  }
0x6: {  	_ = 	snop  }
0x7: {  	_ = 	snop  }
__scs_overlays_trampoline_lowered:
0x8: {  	[smem:$0x3FAA] =	sst s0  }
0x9: {  	[smem:$0x3FAB] =	sst s1  }
0xa: {  	[smem:$0x3FAC] =	sst s2  }
0xb: {  	[smem:$0x3FAD] =	sst s3  }
0xc: {  	[smem:$0x3FAE] =	sst s4  }
0xd: {  	[smem:$0x3FAF] =	sst s5  }
0xe: {  	[smem:$0x3FB0] =	sst s6  }
0xf: {  	[smem:$0x3FB1] =	sst s7  }
0x10: {  	[smem:$0x3FB2] =	sst s8  }
0x11: {  	[smem:$0x3FB3] =	sst s9;
	s0 =	simm.s32 @!p0 $0x0  }
0x12: {  	s1 =	sld [smem:$0x3F99];
	s0 =	simm.s32 @p0 $0x1  }
0x13: {  	[smem:$0x3FB4] =	sst s0;
	s0 =	simm.s32 @!p1 $0x0  }
0x14: {  	s2 =	sld [smem:$0x3F98];
	s0 =	simm.s32 @p1 $0x1  }
0x15: {  	[smem:$0x3FB5] =	sst s0;
	s0 =	simm.s32 @!p2 $0x0  }
0x16: {  	s3 =	sld [smem:$0x3FDB];
	s0 =	simm.s32 @p2 $0x1  }
0x17: {  	s4 =	simm.s32 $0x1BF5;
	[smem:$0x3FB7] =	sst s0  }
0x18: {  	s0 =	sld [smem:$0x3F9A];
	_ =	swait.ge [sflag:s4], $0x0  }
0x19: {  	s7 =	sld [smem:$0x3F9B]  }
0x1a: {  	s8 =	sadd.s32 $0xFFFFE003, lr  }
0x1b: {  	s9 =	sadd.s32 $0xFFFFFEF7, lr;
	s5 =	simm.s32 $0xFFFFFFFF;
	p2 =	slt.u32 s8, $0xFFFFF086  }
0x1c: {  	p1 =	slt.u32 s9, $0xF7A;
	s5 =	simm.s32 @!p2 $0x0  }
0x1d: {  	s5 =	simm.s32 @p1 $0x1;
	p0 =	seq.s32 s7, s2  }
0x1e: {  	s7 =	smul.u32 @!p0 $0xF7A, s2;
	p2 =	seq.s32 @!p0 s5, $0x0  }
0x1f: {  	s9 =	smul.u32 $0xF7A, s1;
	s8 =	simm.s32 @!p0 $0x1BF5;
	p2 =	por !p2, p0  }
0x20: {  	[sflag:s8] =	ssyncset.s32 @!p0 $0xFFFFF086;
	s6 =	sadd.s32 @!p0 s3, s7;
	s7 =	simm.s32 @!p0 $0x108  }
0x21: {  	s3 =	sadd.s32 s3, s9;
	s6 =	sadd.s32 @!p0 $0x88, s6;
	s7 =	simm.s32 @p2 $0x1082  }
0x22: {  	[simem:s7], [sflag:s8] =	dma.local @!p0 [hbm:s6], $0xF7A  }
0x23: {  	s9 =	sor.u32 $0xD0000000, s2;
	s6 =	simm.s32 $0x108;
	_ =	swait.ge @!p0 [sflag:s8], $0x0  }
0x24: {  	s3 =	sadd.s32 $0x88, s3;
	s6 =	simm.s32 @!p1 $0x1082;
	[sflag:s4] =	ssyncset.s32 $0xFFFFF086  }
0x25: {  	[simem:s6], [sflag:s4] =	dma.local [hbm:s3], $0xF7A  }
0x26: {  	[smem:$0x3F9B] =	sst s1;
	(tag) =	ssettag s2;
	_ =	strace s9  }
0x27: {  	s1 =	sld [smem:$0x3FAB]  }
0x28: {  	s2 =	sld [smem:$0x3FAC]  }
0x29: {  	s4 =	sld [smem:$0x3FAE]  }
0x2a: {  	p0 =	seq.s32 s5, $0x0;
	s5 =	sld [smem:$0x3FAF]  }
0x2b: {  	s6 =	sld [smem:$0x3FB0]  }
0x2c: {  	s7 =	sld [smem:$0x3FB1]  }
0x2d: {  	s3 =	simm.s32 $0x108;
	s8 =	sld [smem:$0x3FB2]  }
0x2e: {  	s3 =	simm.s32 @!p0 $0x1082;
	s9 =	sld [smem:$0x3FB3]  }
0x2f: {  	lr =	sadd.s32 s0, s3;
	s0 =	sld [smem:$0x3FAA]  }
0x30: {  	s3 =	sld [smem:$0x3FAD]  }
0x31: {  	[smem:$0x3FB6] =	sst s10  }
0x32: {  	s10 =	sld [smem:$0x3FB4];
	_ =	sdelay $0x3  }
0x33: {  	p0 =	seq.s32 s10, $0x1;
	s10 =	sld [smem:$0x3FB6];
	_ =	sdelay $0x3  }
0x34: {  	[smem:$0x3FB6] =	sst s10  }
0x35: {  	s10 =	sld [smem:$0x3FB5];
	_ =	sdelay $0x3  }
0x36: {  	p1 =	seq.s32 s10, $0x1;
	s10 =	sld [smem:$0x3FB6];
	_ =	sdelay $0x3  }
0x37: {  	[smem:$0x3FB6] =	sst s10  }
0x38: {  	s10 =	sld [smem:$0x3FB7]  }
0x39: {  	_ = 	snop;
	(pc) =	sbr.ind lr, $3  }
0x3a: {  	_ = 	snop  }
0x3b: {  	_ = 	snop  }
0x3c: {  	p2 =	seq.s32 s10, $0x1;
	s10 =	sld [smem:$0x3FB6]  }
0x3d: {  	_ =	shalt  }
0x3e: {  	_ =	shalt  }
0x3f: {  	_ =	shalt  }
0x40: {  	_ =	shalt  }
0x41: {  	_ =	shalt  }
0x42: {  	_ =	shalt  }
0x43: {  	_ =	shalt  }
0x44: {  	_ =	shalt  }
0x45: {  	_ =	shalt  }
0x46: {  	_ =	shalt  }
0x47: {  	_ =	shalt  }
0x48: {  	_ =	shalt  }
0x49: {  	_ =	shalt  }
0x4a: {  	_ =	shalt  }
0x4b: {  	_ =	shalt  }
0x4c: {  	_ =	shalt  }
0x4d: {  	_ =	shalt  }
0x4e: {  	_ =	shalt  }
0x4f: {  	_ =	shalt  }
0x50: {  	_ =	shalt  }
0x51: {  	_ =	shalt  }
0x52: {  	_ =	shalt  }
0x53: {  	_ =	shalt  }
0x54: {  	_ =	shalt  }
0x55: {  	_ =	shalt  }
0x56: {  	_ =	shalt  }
0x57: {  	_ =	shalt  }
0x58: {  	_ =	shalt  }
0x59: {  	_ =	shalt  }
0x5a: {  	_ =	shalt  }
0x5b: {  	_ =	shalt  }
0x5c: {  	_ =	shalt  }
0x5d: {  	_ =	shalt  }
0x5e: {  	_ =	shalt  }
0x5f: {  	_ =	shalt  }
0x60: {  	_ =	shalt  }
0x61: {  	_ =	shalt  }
0x62: {  	_ =	shalt  }
0x63: {  	_ =	shalt  }
0x64: {  	_ =	shalt  }
0x65: {  	_ =	shalt  }
0x66: {  	_ =	shalt  }
0x67: {  	_ =	shalt  }
0x68: {  	_ =	shalt  }
0x69: {  	_ =	shalt  }
0x6a: {  	_ =	shalt  }
0x6b: {  	_ =	shalt  }
0x6c: {  	_ =	shalt  }
0x6d: {  	_ =	shalt  }
0x6e: {  	_ =	shalt  }
0x6f: {  	_ =	shalt  }
0x70: {  	_ =	shalt  }
0x71: {  	_ =	shalt  }
0x72: {  	_ =	shalt  }
0x73: {  	_ =	shalt  }
0x74: {  	_ =	shalt  }
0x75: {  	_ =	shalt  }
0x76: {  	_ =	shalt  }
0x77: {  	_ =	shalt  }
0x78: {  	_ =	shalt  }
0x79: {  	_ =	shalt  }
0x7a: {  	_ =	shalt  }
0x7b: {  	_ =	shalt  }
0x7c: {  	_ =	shalt  }
0x7d: {  	_ =	shalt  }
0x7e: {  	_ =	shalt  }
0x7f: {  	_ =	shalt  }
0x80: {  	_ =	shalt  }
0x81: {  	_ =	shalt  }
0x82: {  	_ =	shalt  }
0x83: {  	_ =	shalt  }
0x84: {  	_ =	shalt  }
0x85: {  	_ =	shalt  }
0x86: {  	_ =	shalt  }
0x87: {  	_ =	shalt  }
.Lfunc_end0:
.L_simem_size_0:
called_computation_lowered:
.L_overlay_start_0:
0x88: {  	s2 =	sld [smem:$0x3FD9]  }
0x89: {  	s3 =	sld [smem:$0x3FFE];
	_ =	sdelay $0x1  }
0x8a: {  	s1 =	srdreg.scid  }
0x8b: {  	s0 =	sand.u32 $0x1, s1  }
0x8c: {  	s17 =	sshll.u32 s0, $0xA;
	s2 =	sadd.s32 s3, s2  }
0x8d: {  	s2 =	sadd.s32 s2, s17  }
0x8e: {  	[smem:$0x3FC2] =	sst s2  }
0x8f: {  	_ = 	snop  }
0x90: {  	s2 =	sld [smem:$0x3FD0];
	(tm) =	ssettm $0x1  }
0x91: {  	s18 =	sld [smem:$0x3FFB];
	_ =	sdelay $0x3  }
0x92: {  	_ =	strace s18  }
0x93: {  	s3 =	sld [smem:$0x3FFC];
	_ =	sdelay $0x3  }
0x94: {  	_ =	strace s3  }
0x95: {  	s3 =	sld [smem:$0x3FFD];
	_ =	sdelay $0x3  }
0x96: {  	_ =	strace s3  }
0x97: {  	_ =	strace $0x8FFFFFFF  }
0x98: {  	s19 =	sld [smem:$0x3FDB];
	_ =	sdelay $0x1  }
0x99: {  	s4 =	simm.s32 $_scs_section_size  }
0x9a: {  	s5 =	simm.s32 $_size__tile_overlayer_lowered;
	s6 =	simm.s32 $_tile_overlayer_lowered  }
0x9b: {  	s22 =	simm.s32 $0x1BFF;
	s21 =	sshll.u32 s6, $0x1;
	s3 =	sadd.s32 s4, s19  }
0x9c: {  	s7 =	simm.s32 $0x0;
	s20 =	sshll.u32 s5, $0x1;
	s5 =	sadd.s32 s21, s3  }
0x9d: {  	[timem:s7], [sflag:s22] =	dma.local [hbm:s5], s20  }
0x9e: {  	_ =	swait.ge [sflag:s22], s20  }
0x9f: {  	s4 =	ssub.s32 $0x0, s20;
	[sflag:s22] =	ssyncset.done $0x0  }
0xa0: {  	[sflag:s22] =	ssyncadd.s32 s4;
	_ =	sdelay $0x1  }
0xa1: {  	s23 =	simm.s32 $0x1B8B  }
0xa2: {  	_ =	swait.ge [sflag:s23], $0x1  }
0xa3: {  	[sflag:s23] =	ssyncset.done $0x0  }
0xa4: {  	s25 =	simm.s32 $0x1B8E;
	s24 =	sld [smem:$0x3FFE];
	[sflag:s23] =	ssyncadd.s32 $0xFFFFFFFF  }
0xa5: {  	s26 =	simm.s32 $execute0_lowered;
	[smem:$0x3FD2] =	sst s25  }
0xa6: {  	s5 =	sshll.u32 s26, $0x1;
	_ =	strace $0x80000046;
	[dreg:$0x1] =	wrdreg $0xFFFFFFFF  }
0xa7: {  	s28 =	simm.s32 $_size_execute0_lowered;
	s3 =	sadd.s32 s3, s5;
	[dreg:$0x0] =	wrdreg $0x0  }
0xa8: {  	s5 =	sshll.u32 s28, $0x1;
	[dreg:$0x2] =	wrdreg s3  }
0xa9: {  	[dreg:$0x3] =	wrdreg s5  }
0xaa: {  	[dreg:$0x4] =	wrdreg $0xC0  }
0xab: {  	_ =	task [dreg:s7], $0x5FFFF  }
0xac: {  	[dreg:$0x1] =	wrdreg $0xFFFFFFFF  }
0xad: {  	[dreg:$0x0] =	wrdreg $0x60  }
0xae: {  	[dreg:$0x2] =	wrdreg s2  }
0xaf: {  	[dreg:$0x3] =	wrdreg s24  }
0xb0: {  	[dreg:$0x4] =	wrdreg $0x9  }
0xb1: {  	_ =	task.clear_ibuf [dreg:s7], $0x5FFFF;
	_ =	strace $0x90000046  }
0xb2: {  	s29 =	simm.s32 $0x9;
	_ =	strace $0x80000048  }
0xb3: {  	_ =	swait.ge [sflag:s29], $0x1  }
0xb4: {  	[sflag:s29] =	ssyncadd.s32 $0xFFFFFFFF  }
0xb5: {  	_ =	strace $0x90000048  }
0xb6: {  	_ =	sfence  }
0xb7: {  	s30 =	sld [smem:$0x0];
	_ =	sdelay $0x2  }
0xb8: {  	s31 =	sshll.u32 s1, $0xD;
	s1 =	sshrl.u32 s1, $0x2  }
0xb9: {  	s3 =	sand.u32 $0x4000, s31;
	s1 =	sadd.s32 s1, s30  }
0xba: {  	s0 =	sor.u32 s3, s0;
	s1 =	sshll.u32 s1, $0x11  }
0xbb: {  	s0 =	sor.u32 s1, s0  }
0xbc: {  	s0 =	sadd.s32 $0x8F2B, s0  }
0xbd: {  	[sflag:s0] =	ssyncadd.remote.s32 $0x1  }
0xbe: {  	_ =	sfence.sel $0xFFFF  }
0xbf: {  	[dreg:$0x0] =	wrdreg $0xFFFFFFFF;
	(pc) =	sbr.abs _section_cstart, $3  }
0xc0: {  	[dreg:$0x1] =	wrdreg $0xFFFFFFFF  }
0xc1: {  	_ =	task.clear_ibuf [dreg:s7], $0x2FFFF;
	_ =	strace $0x9FFFFFFF  }
0xc2: {  	(tm) =	ssettm $0x7FFFFFFF  }
0xc3: {  	_ =	shalt  }
tec
execute0_lowered:
.L_overlay_start_1:
0x0: {  	(tag) =	ssettag $0x1  }
0x1: {  	s1 =	srdreg.scid;
	s0 =	stileid.u32  }
0x2: {  	s3 =	rddreg [dreg:$0x0];
	s26 =	sand.u32 $0x1, s1;
	s31 =	sshll.u32 s0, $0x1  }
0x3: {  	s10 =	rddreg [dreg:$0x1];
	s12 =	sor.u32 s26, s31  }
0x4: {  	s2 =	simm.s32 $0x0;
	s1 =	rddreg [dreg:$0x2];
	s4 =	smul.u32 $0x680, s12  }
0x5: {  	[smem:$0x7FF] =	sst s2  }
0x6: {  	_ =	strace $0x80000047;
	s3 =	sadd.s32 s3, s4;
	s4 =	simm.s32 $0x5  }
0x7: {  	[tilespmem:s2], [sflag:$0x5] =	stream.linear.gather [hbm4b:s3+s2], $0x3400, $0x38;
	[tilespmem:$0x10400] =	vst v63  }
0x8: {  	_ =	swait.ge [sflag:s4], $0x3400  }
0x9: {  	s6 =	simm.s32 $0x680;
	[sflag:s4] =	ssyncset.done $0x0  }
0xa: {  	s7 =	simm.s32 $0x3400;
	s5 =	sadd.s32 $0x1F0E00, s10;
	[sflag:s4] =	ssyncadd.s32 $0xFFFFCC00  }
0xb: {  	[tilespmem:s7], [sflag:$0x1] =	stream.indirect.gather [hbm4b:s5+s6], $0x10, s2, s6, $0xb8;
	[tilespmem:$0x10400] =	vst v63  }
0xc: {  	s8 =	simm.s32 $0x9C00;
	s9 =	simm.s32 $0x1  }
0xd: {  	[tilespmem:s8], [sflag:$0x2] =	stream.indirect.gather [hbm4b:s5+s6], $0x10, s6, s6, $0xb8;
	[tilespmem:$0x10400] =	vst v63  }
0xe: {  	s11 =	smul.u32 $0x6800, s12;
	_ =	swait.ge [sflag:s9], $0x6800  }
0xf: {  	s14 =	sadd.s32 $0xE00, s10;
	[sflag:s9] =	ssyncset.done $0x0  }
0x10: {  	s10 =	sadd.s32 s14, s11;
	s11 =	simm.s32 $0x3;
	[sflag:s9] =	ssyncadd.s32 $0xFFFF9800  }
0x11: {  	[hbm4b:s10+s2] =	stream.linear.scatter [tilespmem:s7], [sflag:$0x3], $0x6800, $0x38;
	[tilespmem:$0x10400] =	vst v63  }
0x12: {  	_ =	swait.ge [sflag:s11], $0x6800  }
0x13: {  	s13 =	simm.s32 $0x2;
	[sflag:s11] =	ssyncset.done $0x0  }
0x14: {  	s15 =	smul.u32 $0x34000, s12;
	s12 =	simm.s32 $0xD00;
	[sflag:s11] =	ssyncadd.s32 $0xFFFF9800  }
0x15: {  	[tilespmem:s7], [sflag:$0x1] =	stream.indirect.gather [hbm4b:s5+s6], $0x10, s12, s6, $0xb8;
	[tilespmem:$0x10400] =	vst v63  }
0x16: {  	s15 =	sshrl.u32 s15, $0x3;
	_ =	swait.ge [sflag:s13], $0x6800  }
0x17: {  	s28 =	sadd.s32 s14, s15;
	[sflag:s13] =	ssyncset.done $0x0  }
0x18: {  	s14 =	simm.s32 $0x4;
	s15 =	sadd.s32 $0xD00, s28;
	[sflag:s13] =	ssyncadd.s32 $0xFFFF9800  }
0x19: {  	[hbm4b:s15+s2] =	stream.linear.scatter [tilespmem:s8], [sflag:$0x4], $0x6800, $0x38;
	[tilespmem:$0x10400] =	vst v63  }
0x1a: {  	_ =	swait.ge [sflag:s14], $0x6800  }
0x1b: {  	[sflag:s14] =	ssyncset.done $0x0  }
0x1c: {  	s16 =	simm.s32 $0x1380;
	[sflag:s14] =	ssyncadd.s32 $0xFFFF9800  }
0x1d: {  	[tilespmem:s8], [sflag:$0x2] =	stream.indirect.gather [hbm4b:s5+s6], $0x10, s16, s6, $0xb8;
	[tilespmem:$0x10400] =	vst v63  }
0x1e: {  	_ =	swait.ge [sflag:s9], $0x6800  }
0x1f: {  	[sflag:s9] =	ssyncset.done $0x0  }
0x20: {  	s17 =	sadd.s32 $0x1A00, s28;
	[sflag:s9] =	ssyncadd.s32 $0xFFFF9800  }
0x21: {  	[hbm4b:s17+s2] =	stream.linear.scatter [tilespmem:s7], [sflag:$0x3], $0x6800, $0x38;
	[tilespmem:$0x10400] =	vst v63  }
0x22: {  	_ =	swait.ge [sflag:s11], $0x6800  }
0x23: {  	[sflag:s11] =	ssyncset.done $0x0  }
0x24: {  	s18 =	simm.s32 $0x1A00;
	[sflag:s11] =	ssyncadd.s32 $0xFFFF9800  }
0x25: {  	[tilespmem:s7], [sflag:$0x1] =	stream.indirect.gather [hbm4b:s5+s6], $0x10, s18, s6, $0xb8;
	[tilespmem:$0x10400] =	vst v63  }
0x26: {  	_ =	swait.ge [sflag:s13], $0x6800  }
0x27: {  	[sflag:s13] =	ssyncset.done $0x0  }
0x28: {  	s19 =	sadd.s32 $0x2700, s28;
	[sflag:s13] =	ssyncadd.s32 $0xFFFF9800  }
0x29: {  	[hbm4b:s19+s2] =	stream.linear.scatter [tilespmem:s8], [sflag:$0x4], $0x6800, $0x38;
	[tilespmem:$0x10400] =	vst v63  }
0x2a: {  	_ =	swait.ge [sflag:s14], $0x6800  }
0x2b: {  	[sflag:s14] =	ssyncset.done $0x0  }
0x2c: {  	s20 =	simm.s32 $0x2080;
	[sflag:s14] =	ssyncadd.s32 $0xFFFF9800  }
0x2d: {  	[tilespmem:s8], [sflag:$0x2] =	stream.indirect.gather [hbm4b:s5+s6], $0x10, s20, s6, $0xb8;
	[tilespmem:$0x10400] =	vst v63  }
0x2e: {  	_ =	swait.ge [sflag:s9], $0x6800  }
0x2f: {  	[sflag:s9] =	ssyncset.done $0x0  }
0x30: {  	s21 =	sadd.s32 $0x3400, s28;
	[sflag:s9] =	ssyncadd.s32 $0xFFFF9800  }
0x31: {  	[hbm4b:s21+s2] =	stream.linear.scatter [tilespmem:s7], [sflag:$0x3], $0x6800, $0x38;
	[tilespmem:$0x10400] =	vst v63  }
0x32: {  	_ =	swait.ge [sflag:s11], $0x6800  }
0x33: {  	[sflag:s11] =	ssyncset.done $0x0  }
0x34: {  	s22 =	simm.s32 $0x2700;
	[sflag:s11] =	ssyncadd.s32 $0xFFFF9800  }
0x35: {  	[tilespmem:s7], [sflag:$0x1] =	stream.indirect.gather [hbm4b:s5+s6], $0x10, s22, s6, $0xb8;
	[tilespmem:$0x10400] =	vst v63  }
0x36: {  	_ =	swait.ge [sflag:s13], $0x6800  }
0x37: {  	[sflag:s13] =	ssyncset.done $0x0  }
0x38: {  	s23 =	sadd.s32 $0x4100, s28;
	[sflag:s13] =	ssyncadd.s32 $0xFFFF9800  }
0x39: {  	[hbm4b:s23+s2] =	stream.linear.scatter [tilespmem:s8], [sflag:$0x4], $0x6800, $0x38;
	[tilespmem:$0x10400] =	vst v63  }
0x3a: {  	_ =	swait.ge [sflag:s14], $0x6800  }
0x3b: {  	[sflag:s14] =	ssyncset.done $0x0  }
0x3c: {  	s24 =	simm.s32 $0x2D80;
	[sflag:s14] =	ssyncadd.s32 $0xFFFF9800  }
0x3d: {  	[tilespmem:s8], [sflag:$0x2] =	stream.indirect.gather [hbm4b:s5+s6], $0x10, s24, s6, $0xb8;
	[tilespmem:$0x10400] =	vst v63  }
0x3e: {  	_ =	swait.ge [sflag:s9], $0x6800  }
0x3f: {  	s29 =	ssub.s32 $0x2, s26;
	s25 =	sadd.s32 $0x4E00, s28;
	[sflag:s9] =	ssyncset.done $0x0  }
0x40: {  	s26 =	sadd.s32 $0x5B00, s28;
	s28 =	sshrl.u32 s29, $0x1;
	[sflag:s9] =	ssyncadd.s32 $0xFFFF9800  }
0x41: {  	[hbm4b:s25+s2] =	stream.linear.scatter [tilespmem:s7], [sflag:$0x3], $0x6800, $0x38;
	[tilespmem:$0x10400] =	vst v63  }
0x42: {  	s28 =	ssub.s32 s29, s28;
	_ =	swait.ge [sflag:s13], $0x6800  }
0x43: {  	s28 =	smax.u32 s28, $0x1;
	[sflag:s13] =	ssyncset.done $0x0  }
0x44: {  	p0 =	sne.s32 s28, $0x1;
	[sflag:s13] =	ssyncadd.s32 $0xFFFF9800  }
0x45: {  	[hbm4b:s26+s2] =	stream.linear.scatter [tilespmem:s8], [sflag:$0x4], $0x6800, $0x38;
	[tilespmem:$0x10400] =	vst v63  }
.Ltmp0:
0x46: {  	_ =	swait.ge [sflag:s11], $0x6800;
	(pc) =	sbr.rel @!p0 .LBB2_2-.Ltmp0, $4  }
0x47: {  	[sflag:s11] =	ssyncset.done $0x0  }
0x48: {  	[sflag:s11] =	ssyncadd.s32 $0xFFFF9800  }
0x49: {  	_ =	swait.ge [sflag:s14], $0x6800  }
0x4a: {  	s28 =	sadd.s32 $0xFFFFFFFF, s28;
	[sflag:s14] =	ssyncset.done $0x0  }
.LBB2_1:
0x4b: {  	p0 =	sne.s32 s28, $0x1;
	s28 =	sadd.s32 $0xFFFFFFFF, s28;
	[sflag:s14] =	ssyncadd.s32 $0xFFFF9800  }
0x4c: {  	[tilespmem:s2], [sflag:$0x5] =	stream.linear.gather [hbm4b:s3+s2], $0x3400, $0x38;
	[tilespmem:$0x10400] =	vst v63  }
0x4d: {  	_ =	swait.ge [sflag:s4], $0x3400  }
0x4e: {  	[sflag:s4] =	ssyncset.done $0x0  }
0x4f: {  	[sflag:s4] =	ssyncadd.s32 $0xFFFFCC00  }
0x50: {  	[tilespmem:s7], [sflag:$0x1] =	stream.indirect.gather [hbm4b:s5+s6], $0x10, s2, s6, $0xb8;
	[tilespmem:$0x10400] =	vst v63  }
0x51: {  	_ = 	snop  }
0x52: {  	[tilespmem:s8], [sflag:$0x2] =	stream.indirect.gather [hbm4b:s5+s6], $0x10, s6, s6, $0xb8;
	[tilespmem:$0x10400] =	vst v63  }
0x53: {  	_ =	swait.ge [sflag:s9], $0x6800  }
0x54: {  	[sflag:s9] =	ssyncset.done $0x0  }
0x55: {  	[sflag:s9] =	ssyncadd.s32 $0xFFFF9800  }
0x56: {  	[hbm4b:s10+s2] =	stream.linear.scatter [tilespmem:s7], [sflag:$0x3], $0x6800, $0x38;
	[tilespmem:$0x10400] =	vst v63  }
0x57: {  	_ =	swait.ge [sflag:s11], $0x6800  }
0x58: {  	[sflag:s11] =	ssyncset.done $0x0  }
0x59: {  	[sflag:s11] =	ssyncadd.s32 $0xFFFF9800  }
0x5a: {  	[tilespmem:s7], [sflag:$0x1] =	stream.indirect.gather [hbm4b:s5+s6], $0x10, s12, s6, $0xb8;
	[tilespmem:$0x10400] =	vst v63  }
0x5b: {  	_ =	swait.ge [sflag:s13], $0x6800  }
0x5c: {  	[sflag:s13] =	ssyncset.done $0x0  }
0x5d: {  	[sflag:s13] =	ssyncadd.s32 $0xFFFF9800  }
0x5e: {  	[hbm4b:s15+s2] =	stream.linear.scatter [tilespmem:s8], [sflag:$0x4], $0x6800, $0x38;
	[tilespmem:$0x10400] =	vst v63  }
0x5f: {  	_ =	swait.ge [sflag:s14], $0x6800  }
0x60: {  	[sflag:s14] =	ssyncset.done $0x0  }
0x61: {  	[sflag:s14] =	ssyncadd.s32 $0xFFFF9800  }
0x62: {  	[tilespmem:s8], [sflag:$0x2] =	stream.indirect.gather [hbm4b:s5+s6], $0x10, s16, s6, $0xb8;
	[tilespmem:$0x10400] =	vst v63  }
0x63: {  	_ =	swait.ge [sflag:s9], $0x6800  }
0x64: {  	[sflag:s9] =	ssyncset.done $0x0  }
0x65: {  	[sflag:s9] =	ssyncadd.s32 $0xFFFF9800  }
0x66: {  	[hbm4b:s17+s2] =	stream.linear.scatter [tilespmem:s7], [sflag:$0x3], $0x6800, $0x38;
	[tilespmem:$0x10400] =	vst v63  }
0x67: {  	_ =	swait.ge [sflag:s11], $0x6800  }
0x68: {  	[sflag:s11] =	ssyncset.done $0x0  }
0x69: {  	[sflag:s11] =	ssyncadd.s32 $0xFFFF9800  }
0x6a: {  	[tilespmem:s7], [sflag:$0x1] =	stream.indirect.gather [hbm4b:s5+s6], $0x10, s18, s6, $0xb8;
	[tilespmem:$0x10400] =	vst v63  }
0x6b: {  	_ =	swait.ge [sflag:s13], $0x6800  }
0x6c: {  	[sflag:s13] =	ssyncset.done $0x0  }
0x6d: {  	[sflag:s13] =	ssyncadd.s32 $0xFFFF9800  }
0x6e: {  	[hbm4b:s19+s2] =	stream.linear.scatter [tilespmem:s8], [sflag:$0x4], $0x6800, $0x38;
	[tilespmem:$0x10400] =	vst v63  }
0x6f: {  	_ =	swait.ge [sflag:s14], $0x6800  }
0x70: {  	[sflag:s14] =	ssyncset.done $0x0  }
0x71: {  	[sflag:s14] =	ssyncadd.s32 $0xFFFF9800  }
0x72: {  	[tilespmem:s8], [sflag:$0x2] =	stream.indirect.gather [hbm4b:s5+s6], $0x10, s20, s6, $0xb8;
	[tilespmem:$0x10400] =	vst v63  }
0x73: {  	_ =	swait.ge [sflag:s9], $0x6800  }
0x74: {  	[sflag:s9] =	ssyncset.done $0x0  }
0x75: {  	[sflag:s9] =	ssyncadd.s32 $0xFFFF9800  }
0x76: {  	[hbm4b:s21+s2] =	stream.linear.scatter [tilespmem:s7], [sflag:$0x3], $0x6800, $0x38;
	[tilespmem:$0x10400] =	vst v63  }
0x77: {  	_ =	swait.ge [sflag:s11], $0x6800  }
0x78: {  	[sflag:s11] =	ssyncset.done $0x0  }
0x79: {  	[sflag:s11] =	ssyncadd.s32 $0xFFFF9800  }
0x7a: {  	[tilespmem:s7], [sflag:$0x1] =	stream.indirect.gather [hbm4b:s5+s6], $0x10, s22, s6, $0xb8;
	[tilespmem:$0x10400] =	vst v63  }
0x7b: {  	_ =	swait.ge [sflag:s13], $0x6800  }
0x7c: {  	[sflag:s13] =	ssyncset.done $0x0  }
0x7d: {  	[sflag:s13] =	ssyncadd.s32 $0xFFFF9800  }
0x7e: {  	[hbm4b:s23+s2] =	stream.linear.scatter [tilespmem:s8], [sflag:$0x4], $0x6800, $0x38;
	[tilespmem:$0x10400] =	vst v63  }
0x7f: {  	_ =	swait.ge [sflag:s14], $0x6800  }
0x80: {  	[sflag:s14] =	ssyncset.done $0x0  }
0x81: {  	[sflag:s14] =	ssyncadd.s32 $0xFFFF9800  }
0x82: {  	[tilespmem:s8], [sflag:$0x2] =	stream.indirect.gather [hbm4b:s5+s6], $0x10, s24, s6, $0xb8;
	[tilespmem:$0x10400] =	vst v63  }
0x83: {  	_ =	swait.ge [sflag:s9], $0x6800  }
0x84: {  	[sflag:s9] =	ssyncset.done $0x0  }
0x85: {  	[sflag:s9] =	ssyncadd.s32 $0xFFFF9800  }
0x86: {  	[hbm4b:s25+s2] =	stream.linear.scatter [tilespmem:s7], [sflag:$0x3], $0x6800, $0x38;
	[tilespmem:$0x10400] =	vst v63  }
0x87: {  	_ =	swait.ge [sflag:s13], $0x6800  }
0x88: {  	[sflag:s13] =	ssyncset.done $0x0  }
0x89: {  	[sflag:s13] =	ssyncadd.s32 $0xFFFF9800  }
0x8a: {  	[hbm4b:s26+s2] =	stream.linear.scatter [tilespmem:s8], [sflag:$0x4], $0x6800, $0x38;
	[tilespmem:$0x10400] =	vst v63  }
.Ltmp1:
0x8b: {  	_ =	swait.ge [sflag:s11], $0x6800;
	(pc) =	sbr.rel @p0 .LBB2_1-.Ltmp1, $4  }
0x8c: {  	[sflag:s11] =	ssyncset.done $0x0  }
0x8d: {  	[sflag:s11] =	ssyncadd.s32 $0xFFFF9800  }
0x8e: {  	_ =	swait.ge [sflag:s14], $0x6800  }
0x8f: {  	[sflag:s14] =	ssyncset.done $0x0  }
.LBB2_2:
0x90: {  	[sflag:s14] =	ssyncadd.s32 $0xFFFF9800  }
0x91: {  	_ =	sfence.sel $0x180000  }
0x92: {  	[bflag:$0x0] =	sbarrier.arrive $0xFFFF  }
0x93: {  	p0 =	sne.s32 s0, $0x0;
	_ =	strace $0x90000047  }
0x94: {  	s0 =	sadd.s32 @!p0 $0x100000, s1;
	[bflag:$0x2] =	sbarrier.arrive $0xFFFF  }
0x95: {  	[sflag:s0] =	ssyncadd.tile.s32 @!p0 $0x1;
	_ =	shalt  }
.Lfunc_end2:
_tile_overlayer_lowered:
.L_overlay_start_2:
0x96: {  	(tag) =	ssettag $0x2  }
0x97: {  	s0 =	rddreg [dreg:$0x0];
	s2 =	stileid.u32  }
0x98: {  	s1 =	rddreg [dreg:$0x1];
	p0 =	sne.s32 s2, $0x0  }
0x99: {  	s3 =	rddreg [dreg:$0x2];
	[bflag:$0x3] =	sbarrier.arrive $0xFFFF;
	s2 =	simm.s32 @!p0 $0x1C05  }
0x9a: {  	[timem:s3], [sflag:s2] =	dma.local @!p0 [hbm:s0], s1  }
0x9b: {  	s0 =	simm.s32 @!p0 $0x5  }
0x9c: {  	_ =	swait.ge @!p0 [sflag:s0], s1  }
0x9d: {  	s1 =	ssub.s32 @!p0 $0x0, s1;
	[sflag:s0] =	ssyncset.done @!p0 $0x0  }
0x9e: {  	[sflag:s0] =	ssyncadd.s32 @!p0 s1  }
0x9f: {  	[bflag:$0x3] =	sbarrier.arrive $0xFFFF  }
0xa0: {  	_ =	shalt  }

</sc_bundles>
